<compile_context>
chip_gen: v7x
topology: tpu7x:2x2x1
jax: 0.10.2.dev20260603
libtpu: 0.0.44.dev20260713+nightly
codegen_flags: <defaults>
</compile_context>

<pallas_src>
import functools

import jax
import jax.numpy as jnp
from jax import lax
from jax.experimental import pallas as pl
from jax.experimental.pallas import tpu as pltpu
from jax.experimental.pallas import tpu_sc as plsc

B = 16384
D = 64
MARGIN = 1.0
NC = 2
NS = 16
NW = NC * NS
BPW = B // NW
CB = 128
NCH = BPW // CB
NG = CB // 16


def _tec_body(ph_h, pt_h, pr_h, nh_h, nt_h, nr_h, ent_h, rel_h, out_h,
              ph_i, pt_i, pr_i, nh_i, nt_i, nr_i,
              hp_v, tp_v, rp_v, hn_v, tn_v, rn_v, lv, sem):
    wid = lax.axis_index("s") * NC + lax.axis_index("c")

    pltpu.sync_copy(ph_h.at[wid], ph_i)
    pltpu.sync_copy(pt_h.at[wid], pt_i)
    pltpu.sync_copy(pr_h.at[wid], pr_i)
    pltpu.sync_copy(nh_h.at[wid], nh_i)
    pltpu.sync_copy(nt_h.at[wid], nt_i)
    pltpu.sync_copy(nr_h.at[wid], nr_i)

    iota = lax.iota(jnp.int32, 16)
    DU = 8

    def chunk_body(c, loss16):
        cps = [
            pltpu.async_copy(ent_h.at[ph_i.at[c]], hp_v, sem),
            pltpu.async_copy(ent_h.at[pt_i.at[c]], tp_v, sem),
            pltpu.async_copy(rel_h.at[pr_i.at[c]], rp_v, sem),
            pltpu.async_copy(ent_h.at[nh_i.at[c]], hn_v, sem),
            pltpu.async_copy(ent_h.at[nt_i.at[c]], tn_v, sem),
            pltpu.async_copy(rel_h.at[nr_i.at[c]], rn_v, sem),
        ]
        for cp in cps:
            cp.wait()

        def group_body(g, acc):
            tri = g * 16 + iota

            def depth_body(db, accs):
                acc_p, acc_n = accs
                for j in range(DU):
                    col = db * DU + j + jnp.zeros((16,), jnp.int32)
                    hp = plsc.load_gather(hp_v, [tri, col])
                    tp = plsc.load_gather(tp_v, [tri, col])
                    rp = plsc.load_gather(rp_v, [tri, col])
                    hn = plsc.load_gather(hn_v, [tri, col])
                    tn = plsc.load_gather(tn_v, [tri, col])
                    rn = plsc.load_gather(rn_v, [tri, col])
                    acc_p = acc_p + jnp.abs(hp + rp - tp)
                    acc_n = acc_n + jnp.abs(hn + rn - tn)
                return acc_p, acc_n

            zero16 = jnp.zeros((16,), jnp.float32)
            acc_p, acc_n = lax.fori_loop(0, D // DU, depth_body, (zero16, zero16))
            return acc + jnp.maximum(acc_p - acc_n + MARGIN, 0.0)

        return lax.fori_loop(0, NG, group_body, loss16)

    lv[...] = lax.fori_loop(0, NCH, chunk_body, jnp.zeros((16,), jnp.float32))
    pltpu.sync_copy(lv, out_h.at[wid])


@functools.partial(jax.jit, static_argnums=())
def _run(ph, pt, pr, nh, nt, nr, ent, rel):
    mesh = plsc.VectorSubcoreMesh(core_axis_name="c", subcore_axis_name="s")
    k = pl.kernel(
        _tec_body,
        mesh=mesh,
        compiler_params=pltpu.CompilerParams(
            needs_layout_passes=False, use_tc_tiling_on_sc=False
        ),
        out_type=jax.ShapeDtypeStruct((NW, 16), jnp.float32),
        scratch_types=[
            pltpu.VMEM((NCH, CB), jnp.int32),
            pltpu.VMEM((NCH, CB), jnp.int32),
            pltpu.VMEM((NCH, CB), jnp.int32),
            pltpu.VMEM((NCH, CB), jnp.int32),
            pltpu.VMEM((NCH, CB), jnp.int32),
            pltpu.VMEM((NCH, CB), jnp.int32),
            pltpu.VMEM((CB, D), jnp.float32),
            pltpu.VMEM((CB, D), jnp.float32),
            pltpu.VMEM((CB, D), jnp.float32),
            pltpu.VMEM((CB, D), jnp.float32),
            pltpu.VMEM((CB, D), jnp.float32),
            pltpu.VMEM((CB, D), jnp.float32),
            pltpu.VMEM((16,), jnp.float32),
            pltpu.SemaphoreType.DMA,
        ],
    )
    return k(ph, pt, pr, nh, nt, nr, ent, rel)


def kernel(pos_h, pos_t, pos_r, neg_h, neg_t, neg_r, ent_embeddings, rel_embeddings):
    shp = (NW, NCH, CB)
    ph = pos_h.reshape(shp).astype(jnp.int32)
    pt = pos_t.reshape(shp).astype(jnp.int32)
    pr = pos_r.reshape(shp).astype(jnp.int32)
    nh = neg_h.reshape(shp).astype(jnp.int32)
    nt = neg_t.reshape(shp).astype(jnp.int32)
    nr = neg_r.reshape(shp).astype(jnp.int32)
    out = _run(ph, pt, pr, nh, nt, nr, ent_embeddings, rel_embeddings)
    return jnp.sum(out)

# --- scband reference (transcript-rebuilt; emitter-appended) ---
"""Pipeline reference for scband-trans-e-freeze-7121055777289 (READ-ONLY COPY).

The authoritative reference and input builder live on the scoring server;
editing this copy changes nothing except your own understanding.
"""

import jax, jax.numpy as jnp
import numpy as np

ENT_TOTAL = 1000000
REL_TOTAL = 1000
HIDDEN = 64
BATCH = 16384
MARGIN = 1.0


def setup_inputs(seed: int = 0) -> dict:
    key = jax.random.key(seed)
    ks = jax.random.split(key, 8)
    pos_h = jax.random.randint(ks[0], (BATCH, 1), 0, ENT_TOTAL)
    pos_t = jax.random.randint(ks[1], (BATCH, 1), 0, ENT_TOTAL)
    pos_r = jax.random.randint(ks[2], (BATCH, 1), 0, REL_TOTAL)
    neg_h = jax.random.randint(ks[3], (BATCH, 1), 0, ENT_TOTAL)
    neg_t = jax.random.randint(ks[4], (BATCH, 1), 0, ENT_TOTAL)
    neg_r = jax.random.randint(ks[5], (BATCH, 1), 0, REL_TOTAL)
    ent_embeddings = jax.random.normal(ks[6], (ENT_TOTAL, HIDDEN), dtype=jnp.float32) * 0.02
    rel_embeddings = jax.random.normal(ks[7], (REL_TOTAL, HIDDEN), dtype=jnp.float32) * 0.02
    return {
        "pos_h": pos_h, "pos_t": pos_t, "pos_r": pos_r,
        "neg_h": neg_h, "neg_t": neg_t, "neg_r": neg_r,
        "ent_embeddings": ent_embeddings, "rel_embeddings": rel_embeddings,
    }


def _calc(h, t, r):
    # TransE score: |h + r - t|
    return jnp.abs(h + r - t)


def reference(pos_h, pos_t, pos_r, neg_h, neg_t, neg_r, ent_embeddings, rel_embeddings):
    # embedding lookups (gather rows)
    p_h = jnp.take(ent_embeddings, pos_h, axis=0)  # [B, 1, D]
    p_t = jnp.take(ent_embeddings, pos_t, axis=0)
    p_r = jnp.take(rel_embeddings, pos_r, axis=0)
    n_h = jnp.take(ent_embeddings, neg_h, axis=0)
    n_t = jnp.take(ent_embeddings, neg_t, axis=0)
    n_r = jnp.take(rel_embeddings, neg_r, axis=0)
    _p_score = _calc(p_h, p_t, p_r)  # [B, 1, D]
    _n_score = _calc(n_h, n_t, n_r)
    p_score = jnp.sum(jnp.mean(_p_score, axis=1), axis=1, keepdims=True)  # [B, 1]
    n_score = jnp.sum(jnp.mean(_n_score, axis=1), axis=1, keepdims=True)
    loss = jnp.sum(jnp.maximum(p_score - n_score + MARGIN, 0.0))
    return loss

if __name__ == "__main__":
    import jax
    _d = setup_inputs()
    print(jax.jit(kernel)(*tuple(_d.values())))

</pallas_src>

<mosaic_0001>
#map = affine_map<(d0, d1) -> (0, 0, 0)>
#map1 = affine_map<(d0, d1) -> (0, 0)>
module attributes {stable_mosaic.version = 14 : i64} {
  func.func @_tec_body(%arg0: i32, %arg1: i32, %arg2: memref<32x4x128xi32, #tpu.memory_space<hbm>>, %arg3: memref<32x4x128xi32, #tpu.memory_space<hbm>>, %arg4: memref<32x4x128xi32, #tpu.memory_space<hbm>>, %arg5: memref<32x4x128xi32, #tpu.memory_space<hbm>>, %arg6: memref<32x4x128xi32, #tpu.memory_space<hbm>>, %arg7: memref<32x4x128xi32, #tpu.memory_space<hbm>>, %arg8: memref<1000000x64xf32, #tpu.memory_space<hbm>>, %arg9: memref<1000x64xf32, #tpu.memory_space<hbm>>, %arg10: memref<32x16xf32, #tpu.memory_space<hbm>>, %arg11: memref<4x128xi32, #tpu.memory_space<vmem>>, %arg12: memref<4x128xi32, #tpu.memory_space<vmem>>, %arg13: memref<4x128xi32, #tpu.memory_space<vmem>>, %arg14: memref<4x128xi32, #tpu.memory_space<vmem>>, %arg15: memref<4x128xi32, #tpu.memory_space<vmem>>, %arg16: memref<4x128xi32, #tpu.memory_space<vmem>>, %arg17: memref<128x64xf32, #tpu.memory_space<vmem>>, %arg18: memref<128x64xf32, #tpu.memory_space<vmem>>, %arg19: memref<128x64xf32, #tpu.memory_space<vmem>>, %arg20: memref<128x64xf32, #tpu.memory_space<vmem>>, %arg21: memref<128x64xf32, #tpu.memory_space<vmem>>, %arg22: memref<128x64xf32, #tpu.memory_space<vmem>>, %arg23: memref<16xf32, #tpu.memory_space<vmem>>, %arg24: memref<!tpu.dma_semaphore, #tpu.memory_space<semaphore_mem>>) attributes {dimension_semantics = [#tpu.dimension_semantics<core_parallel>, #tpu.dimension_semantics<subcore_parallel>], iteration_bounds = array<i64: 2, 16>, scalar_prefetch = 0 : i64, scratch_operands = 14 : i64, tpu.core_type = #tpu.core_type<sc_vector_subcore>, window_params = [{transform_indices = #map}, {transform_indices = #map}, {transform_indices = #map}, {transform_indices = #map}, {transform_indices = #map}, {transform_indices = #map}, {transform_indices = #map1}, {transform_indices = #map1}, {transform_indices = #map1}]} {
    %mul3A = arith.constant 2 : i32
    %mul3A_0 = arith.muli %arg1, %mul3A : i32
    %add3A = arith.addi %mul3A_0, %arg0 : i32
    "tpu.region"() ({
      %run_scoped3A = tpu.sem_alloc : memref<!tpu.dma_semaphore, #tpu.memory_space<semaphore_mem>>
      %dma_start3A = arith.constant 0 : i32
      %dma_start3A_8 = arith.constant 0 : i32
      %dma_start3A_9 = tpu.memref_slice %arg2[%add3A, %dma_start3A, %dma_start3A_8] : memref<32x4x128xi32, #tpu.memory_space<hbm>> -> memref<1x4x128xi32, #tpu.memory_space<hbm>>
      %dma_start3A_10 = tpu.memref_squeeze %dma_start3A_9 : memref<1x4x128xi32, #tpu.memory_space<hbm>> -> memref<4x128xi32, #tpu.memory_space<hbm>>
      %dma_start3A_11 = arith.constant 0 : i32
      %dma_start3A_12 = arith.constant 0 : i32
      %dma_start3A_13 = tpu.memref_slice %arg2[%add3A, %dma_start3A_11, %dma_start3A_12] : memref<32x4x128xi32, #tpu.memory_space<hbm>> -> memref<1x4x128xi32, #tpu.memory_space<hbm>>
      %dma_start3A_14 = tpu.memref_squeeze %dma_start3A_13 : memref<1x4x128xi32, #tpu.memory_space<hbm>> -> memref<4x128xi32, #tpu.memory_space<hbm>>
      tpu.enqueue_dma source(%dma_start3A_14 : memref<4x128xi32, #tpu.memory_space<hbm>>) target(%arg11 : memref<4x128xi32, #tpu.memory_space<vmem>>) target_semaphore(%run_scoped3A : memref<!tpu.dma_semaphore, #tpu.memory_space<semaphore_mem>>)
      %dma_wait3A = arith.constant 0 : i32
      %dma_wait3A_15 = arith.constant 0 : i32
      %dma_wait3A_16 = tpu.memref_slice %arg2[%add3A, %dma_wait3A, %dma_wait3A_15] : memref<32x4x128xi32, #tpu.memory_space<hbm>> -> memref<1x4x128xi32, #tpu.memory_space<hbm>>
      %dma_wait3A_17 = tpu.memref_squeeze %dma_wait3A_16 : memref<1x4x128xi32, #tpu.memory_space<hbm>> -> memref<4x128xi32, #tpu.memory_space<hbm>>
      %dma_wait3A_18 = arith.constant 0 : i32
      %dma_wait3A_19 = arith.constant 0 : i32
      %dma_wait3A_20 = tpu.memref_slice %arg2[%add3A, %dma_wait3A_18, %dma_wait3A_19] : memref<32x4x128xi32, #tpu.memory_space<hbm>> -> memref<1x4x128xi32, #tpu.memory_space<hbm>>
      %dma_wait3A_21 = tpu.memref_squeeze %dma_wait3A_20 : memref<1x4x128xi32, #tpu.memory_space<hbm>> -> memref<4x128xi32, #tpu.memory_space<hbm>>
      tpu.wait_dma2 semaphore(%run_scoped3A : memref<!tpu.dma_semaphore, #tpu.memory_space<semaphore_mem>>) src(%dma_wait3A_21 : memref<4x128xi32, #tpu.memory_space<hbm>>) dst(%arg11 : memref<4x128xi32, #tpu.memory_space<vmem>>)
      tpu.yield
    }) : () -> ()
    "tpu.region"() ({
      %run_scoped3A = tpu.sem_alloc : memref<!tpu.dma_semaphore, #tpu.memory_space<semaphore_mem>>
      %dma_start3A = arith.constant 0 : i32
      %dma_start3A_8 = arith.constant 0 : i32
      %dma_start3A_9 = tpu.memref_slice %arg3[%add3A, %dma_start3A, %dma_start3A_8] : memref<32x4x128xi32, #tpu.memory_space<hbm>> -> memref<1x4x128xi32, #tpu.memory_space<hbm>>
      %dma_start3A_10 = tpu.memref_squeeze %dma_start3A_9 : memref<1x4x128xi32, #tpu.memory_space<hbm>> -> memref<4x128xi32, #tpu.memory_space<hbm>>
      %dma_start3A_11 = arith.constant 0 : i32
      %dma_start3A_12 = arith.constant 0 : i32
      %dma_start3A_13 = tpu.memref_slice %arg3[%add3A, %dma_start3A_11, %dma_start3A_12] : memref<32x4x128xi32, #tpu.memory_space<hbm>> -> memref<1x4x128xi32, #tpu.memory_space<hbm>>
      %dma_start3A_14 = tpu.memref_squeeze %dma_start3A_13 : memref<1x4x128xi32, #tpu.memory_space<hbm>> -> memref<4x128xi32, #tpu.memory_space<hbm>>
      tpu.enqueue_dma source(%dma_start3A_14 : memref<4x128xi32, #tpu.memory_space<hbm>>) target(%arg12 : memref<4x128xi32, #tpu.memory_space<vmem>>) target_semaphore(%run_scoped3A : memref<!tpu.dma_semaphore, #tpu.memory_space<semaphore_mem>>)
      %dma_wait3A = arith.constant 0 : i32
      %dma_wait3A_15 = arith.constant 0 : i32
      %dma_wait3A_16 = tpu.memref_slice %arg3[%add3A, %dma_wait3A, %dma_wait3A_15] : memref<32x4x128xi32, #tpu.memory_space<hbm>> -> memref<1x4x128xi32, #tpu.memory_space<hbm>>
      %dma_wait3A_17 = tpu.memref_squeeze %dma_wait3A_16 : memref<1x4x128xi32, #tpu.memory_space<hbm>> -> memref<4x128xi32, #tpu.memory_space<hbm>>
      %dma_wait3A_18 = arith.constant 0 : i32
      %dma_wait3A_19 = arith.constant 0 : i32
      %dma_wait3A_20 = tpu.memref_slice %arg3[%add3A, %dma_wait3A_18, %dma_wait3A_19] : memref<32x4x128xi32, #tpu.memory_space<hbm>> -> memref<1x4x128xi32, #tpu.memory_space<hbm>>
      %dma_wait3A_21 = tpu.memref_squeeze %dma_wait3A_20 : memref<1x4x128xi32, #tpu.memory_space<hbm>> -> memref<4x128xi32, #tpu.memory_space<hbm>>
      tpu.wait_dma2 semaphore(%run_scoped3A : memref<!tpu.dma_semaphore, #tpu.memory_space<semaphore_mem>>) src(%dma_wait3A_21 : memref<4x128xi32, #tpu.memory_space<hbm>>) dst(%arg12 : memref<4x128xi32, #tpu.memory_space<vmem>>)
      tpu.yield
    }) : () -> ()
    "tpu.region"() ({
      %run_scoped3A = tpu.sem_alloc : memref<!tpu.dma_semaphore, #tpu.memory_space<semaphore_mem>>
      %dma_start3A = arith.constant 0 : i32
      %dma_start3A_8 = arith.constant 0 : i32
      %dma_start3A_9 = tpu.memref_slice %arg4[%add3A, %dma_start3A, %dma_start3A_8] : memref<32x4x128xi32, #tpu.memory_space<hbm>> -> memref<1x4x128xi32, #tpu.memory_space<hbm>>
      %dma_start3A_10 = tpu.memref_squeeze %dma_start3A_9 : memref<1x4x128xi32, #tpu.memory_space<hbm>> -> memref<4x128xi32, #tpu.memory_space<hbm>>
      %dma_start3A_11 = arith.constant 0 : i32
      %dma_start3A_12 = arith.constant 0 : i32
      %dma_start3A_13 = tpu.memref_slice %arg4[%add3A, %dma_start3A_11, %dma_start3A_12] : memref<32x4x128xi32, #tpu.memory_space<hbm>> -> memref<1x4x128xi32, #tpu.memory_space<hbm>>
      %dma_start3A_14 = tpu.memref_squeeze %dma_start3A_13 : memref<1x4x128xi32, #tpu.memory_space<hbm>> -> memref<4x128xi32, #tpu.memory_space<hbm>>
      tpu.enqueue_dma source(%dma_start3A_14 : memref<4x128xi32, #tpu.memory_space<hbm>>) target(%arg13 : memref<4x128xi32, #tpu.memory_space<vmem>>) target_semaphore(%run_scoped3A : memref<!tpu.dma_semaphore, #tpu.memory_space<semaphore_mem>>)
      %dma_wait3A = arith.constant 0 : i32
      %dma_wait3A_15 = arith.constant 0 : i32
      %dma_wait3A_16 = tpu.memref_slice %arg4[%add3A, %dma_wait3A, %dma_wait3A_15] : memref<32x4x128xi32, #tpu.memory_space<hbm>> -> memref<1x4x128xi32, #tpu.memory_space<hbm>>
      %dma_wait3A_17 = tpu.memref_squeeze %dma_wait3A_16 : memref<1x4x128xi32, #tpu.memory_space<hbm>> -> memref<4x128xi32, #tpu.memory_space<hbm>>
      %dma_wait3A_18 = arith.constant 0 : i32
      %dma_wait3A_19 = arith.constant 0 : i32
      %dma_wait3A_20 = tpu.memref_slice %arg4[%add3A, %dma_wait3A_18, %dma_wait3A_19] : memref<32x4x128xi32, #tpu.memory_space<hbm>> -> memref<1x4x128xi32, #tpu.memory_space<hbm>>
      %dma_wait3A_21 = tpu.memref_squeeze %dma_wait3A_20 : memref<1x4x128xi32, #tpu.memory_space<hbm>> -> memref<4x128xi32, #tpu.memory_space<hbm>>
      tpu.wait_dma2 semaphore(%run_scoped3A : memref<!tpu.dma_semaphore, #tpu.memory_space<semaphore_mem>>) src(%dma_wait3A_21 : memref<4x128xi32, #tpu.memory_space<hbm>>) dst(%arg13 : memref<4x128xi32, #tpu.memory_space<vmem>>)
      tpu.yield
    }) : () -> ()
    "tpu.region"() ({
      %run_scoped3A = tpu.sem_alloc : memref<!tpu.dma_semaphore, #tpu.memory_space<semaphore_mem>>
      %dma_start3A = arith.constant 0 : i32
      %dma_start3A_8 = arith.constant 0 : i32
      %dma_start3A_9 = tpu.memref_slice %arg5[%add3A, %dma_start3A, %dma_start3A_8] : memref<32x4x128xi32, #tpu.memory_space<hbm>> -> memref<1x4x128xi32, #tpu.memory_space<hbm>>
      %dma_start3A_10 = tpu.memref_squeeze %dma_start3A_9 : memref<1x4x128xi32, #tpu.memory_space<hbm>> -> memref<4x128xi32, #tpu.memory_space<hbm>>
      %dma_start3A_11 = arith.constant 0 : i32
      %dma_start3A_12 = arith.constant 0 : i32
      %dma_start3A_13 = tpu.memref_slice %arg5[%add3A, %dma_start3A_11, %dma_start3A_12] : memref<32x4x128xi32, #tpu.memory_space<hbm>> -> memref<1x4x128xi32, #tpu.memory_space<hbm>>
      %dma_start3A_14 = tpu.memref_squeeze %dma_start3A_13 : memref<1x4x128xi32, #tpu.memory_space<hbm>> -> memref<4x128xi32, #tpu.memory_space<hbm>>
      tpu.enqueue_dma source(%dma_start3A_14 : memref<4x128xi32, #tpu.memory_space<hbm>>) target(%arg14 : memref<4x128xi32, #tpu.memory_space<vmem>>) target_semaphore(%run_scoped3A : memref<!tpu.dma_semaphore, #tpu.memory_space<semaphore_mem>>)
      %dma_wait3A = arith.constant 0 : i32
      %dma_wait3A_15 = arith.constant 0 : i32
      %dma_wait3A_16 = tpu.memref_slice %arg5[%add3A, %dma_wait3A, %dma_wait3A_15] : memref<32x4x128xi32, #tpu.memory_space<hbm>> -> memref<1x4x128xi32, #tpu.memory_space<hbm>>
      %dma_wait3A_17 = tpu.memref_squeeze %dma_wait3A_16 : memref<1x4x128xi32, #tpu.memory_space<hbm>> -> memref<4x128xi32, #tpu.memory_space<hbm>>
      %dma_wait3A_18 = arith.constant 0 : i32
      %dma_wait3A_19 = arith.constant 0 : i32
      %dma_wait3A_20 = tpu.memref_slice %arg5[%add3A, %dma_wait3A_18, %dma_wait3A_19] : memref<32x4x128xi32, #tpu.memory_space<hbm>> -> memref<1x4x128xi32, #tpu.memory_space<hbm>>
      %dma_wait3A_21 = tpu.memref_squeeze %dma_wait3A_20 : memref<1x4x128xi32, #tpu.memory_space<hbm>> -> memref<4x128xi32, #tpu.memory_space<hbm>>
      tpu.wait_dma2 semaphore(%run_scoped3A : memref<!tpu.dma_semaphore, #tpu.memory_space<semaphore_mem>>) src(%dma_wait3A_21 : memref<4x128xi32, #tpu.memory_space<hbm>>) dst(%arg14 : memref<4x128xi32, #tpu.memory_space<vmem>>)
      tpu.yield
    }) : () -> ()
    "tpu.region"() ({
      %run_scoped3A = tpu.sem_alloc : memref<!tpu.dma_semaphore, #tpu.memory_space<semaphore_mem>>
      %dma_start3A = arith.constant 0 : i32
      %dma_start3A_8 = arith.constant 0 : i32
      %dma_start3A_9 = tpu.memref_slice %arg6[%add3A, %dma_start3A, %dma_start3A_8] : memref<32x4x128xi32, #tpu.memory_space<hbm>> -> memref<1x4x128xi32, #tpu.memory_space<hbm>>
      %dma_start3A_10 = tpu.memref_squeeze %dma_start3A_9 : memref<1x4x128xi32, #tpu.memory_space<hbm>> -> memref<4x128xi32, #tpu.memory_space<hbm>>
      %dma_start3A_11 = arith.constant 0 : i32
      %dma_start3A_12 = arith.constant 0 : i32
      %dma_start3A_13 = tpu.memref_slice %arg6[%add3A, %dma_start3A_11, %dma_start3A_12] : memref<32x4x128xi32, #tpu.memory_space<hbm>> -> memref<1x4x128xi32, #tpu.memory_space<hbm>>
      %dma_start3A_14 = tpu.memref_squeeze %dma_start3A_13 : memref<1x4x128xi32, #tpu.memory_space<hbm>> -> memref<4x128xi32, #tpu.memory_space<hbm>>
      tpu.enqueue_dma source(%dma_start3A_14 : memref<4x128xi32, #tpu.memory_space<hbm>>) target(%arg15 : memref<4x128xi32, #tpu.memory_space<vmem>>) target_semaphore(%run_scoped3A : memref<!tpu.dma_semaphore, #tpu.memory_space<semaphore_mem>>)
      %dma_wait3A = arith.constant 0 : i32
      %dma_wait3A_15 = arith.constant 0 : i32
      %dma_wait3A_16 = tpu.memref_slice %arg6[%add3A, %dma_wait3A, %dma_wait3A_15] : memref<32x4x128xi32, #tpu.memory_space<hbm>> -> memref<1x4x128xi32, #tpu.memory_space<hbm>>
      %dma_wait3A_17 = tpu.memref_squeeze %dma_wait3A_16 : memref<1x4x128xi32, #tpu.memory_space<hbm>> -> memref<4x128xi32, #tpu.memory_space<hbm>>
      %dma_wait3A_18 = arith.constant 0 : i32
      %dma_wait3A_19 = arith.constant 0 : i32
      %dma_wait3A_20 = tpu.memref_slice %arg6[%add3A, %dma_wait3A_18, %dma_wait3A_19] : memref<32x4x128xi32, #tpu.memory_space<hbm>> -> memref<1x4x128xi32, #tpu.memory_space<hbm>>
      %dma_wait3A_21 = tpu.memref_squeeze %dma_wait3A_20 : memref<1x4x128xi32, #tpu.memory_space<hbm>> -> memref<4x128xi32, #tpu.memory_space<hbm>>
      tpu.wait_dma2 semaphore(%run_scoped3A : memref<!tpu.dma_semaphore, #tpu.memory_space<semaphore_mem>>) src(%dma_wait3A_21 : memref<4x128xi32, #tpu.memory_space<hbm>>) dst(%arg15 : memref<4x128xi32, #tpu.memory_space<vmem>>)
      tpu.yield
    }) : () -> ()
    "tpu.region"() ({
      %run_scoped3A = tpu.sem_alloc : memref<!tpu.dma_semaphore, #tpu.memory_space<semaphore_mem>>
      %dma_start3A = arith.constant 0 : i32
      %dma_start3A_8 = arith.constant 0 : i32
      %dma_start3A_9 = tpu.memref_slice %arg7[%add3A, %dma_start3A, %dma_start3A_8] : memref<32x4x128xi32, #tpu.memory_space<hbm>> -> memref<1x4x128xi32, #tpu.memory_space<hbm>>
      %dma_start3A_10 = tpu.memref_squeeze %dma_start3A_9 : memref<1x4x128xi32, #tpu.memory_space<hbm>> -> memref<4x128xi32, #tpu.memory_space<hbm>>
      %dma_start3A_11 = arith.constant 0 : i32
      %dma_start3A_12 = arith.constant 0 : i32
      %dma_start3A_13 = tpu.memref_slice %arg7[%add3A, %dma_start3A_11, %dma_start3A_12] : memref<32x4x128xi32, #tpu.memory_space<hbm>> -> memref<1x4x128xi32, #tpu.memory_space<hbm>>
      %dma_start3A_14 = tpu.memref_squeeze %dma_start3A_13 : memref<1x4x128xi32, #tpu.memory_space<hbm>> -> memref<4x128xi32, #tpu.memory_space<hbm>>
      tpu.enqueue_dma source(%dma_start3A_14 : memref<4x128xi32, #tpu.memory_space<hbm>>) target(%arg16 : memref<4x128xi32, #tpu.memory_space<vmem>>) target_semaphore(%run_scoped3A : memref<!tpu.dma_semaphore, #tpu.memory_space<semaphore_mem>>)
      %dma_wait3A = arith.constant 0 : i32
      %dma_wait3A_15 = arith.constant 0 : i32
      %dma_wait3A_16 = tpu.memref_slice %arg7[%add3A, %dma_wait3A, %dma_wait3A_15] : memref<32x4x128xi32, #tpu.memory_space<hbm>> -> memref<1x4x128xi32, #tpu.memory_space<hbm>>
      %dma_wait3A_17 = tpu.memref_squeeze %dma_wait3A_16 : memref<1x4x128xi32, #tpu.memory_space<hbm>> -> memref<4x128xi32, #tpu.memory_space<hbm>>
      %dma_wait3A_18 = arith.constant 0 : i32
      %dma_wait3A_19 = arith.constant 0 : i32
      %dma_wait3A_20 = tpu.memref_slice %arg7[%add3A, %dma_wait3A_18, %dma_wait3A_19] : memref<32x4x128xi32, #tpu.memory_space<hbm>> -> memref<1x4x128xi32, #tpu.memory_space<hbm>>
      %dma_wait3A_21 = tpu.memref_squeeze %dma_wait3A_20 : memref<1x4x128xi32, #tpu.memory_space<hbm>> -> memref<4x128xi32, #tpu.memory_space<hbm>>
      tpu.wait_dma2 semaphore(%run_scoped3A : memref<!tpu.dma_semaphore, #tpu.memory_space<semaphore_mem>>) src(%dma_wait3A_21 : memref<4x128xi32, #tpu.memory_space<hbm>>) dst(%arg16 : memref<4x128xi32, #tpu.memory_space<vmem>>)
      tpu.yield
    }) : () -> ()
    %iota3A = tpu.iota {dimensions = array<i32: 0>} : vector<16xi32>
    %broadcast_in_dim3A = arith.constant 0.000000e+00 : f32
    %broadcast_in_dim3A_1 = vector.broadcast %broadcast_in_dim3A : f32 to vector<16xf32>
    %scan3A = arith.constant 0 : i32
    %scan3A_2 = arith.constant 4 : i32
    %scan3A_3 = arith.addi %scan3A, %scan3A_2 : i32
    %scan3A_4 = arith.constant 1 : i32
    %scan3A_5 = scf.for %scan3A_8 = %scan3A to %scan3A_3 step %scan3A_4 iter_args(%scan3A_9 = %broadcast_in_dim3A_1) -> (vector<16xf32>)  : i32 {
      %dma_start3A = arith.constant 0 : i32
      %dma_start3A_10 = tpu.memref_slice %arg11[%scan3A_8, %dma_start3A] : memref<4x128xi32, #tpu.memory_space<vmem>> -> memref<1x128xi32, #tpu.memory_space<vmem>>
      %dma_start3A_11 = tpu.memref_squeeze %dma_start3A_10 : memref<1x128xi32, #tpu.memory_space<vmem>> -> memref<128xi32, #tpu.memory_space<vmem>>
      %dma_start3A_12 = arith.constant 0 : i32
      %dma_start3A_13 = arith.constant 0 : i32
      %dma_start3A_14 = tpu.memref_slice %arg8[%dma_start3A_12, %dma_start3A_13] : memref<1000000x64xf32, #tpu.memory_space<hbm>> -> memref<1000000x64xf32, #tpu.memory_space<hbm>>
      tpu.enqueue_indirect_dma source(%dma_start3A_14 : memref<1000000x64xf32, #tpu.memory_space<hbm>>) target(%arg17 : memref<128x64xf32, #tpu.memory_space<vmem>>) offsets(%dma_start3A_11 : memref<128xi32, #tpu.memory_space<vmem>>) semaphore(%arg24 : memref<!tpu.dma_semaphore, #tpu.memory_space<semaphore_mem>>)
      %dma_start3A_15 = arith.constant 0 : i32
      %dma_start3A_16 = tpu.memref_slice %arg12[%scan3A_8, %dma_start3A_15] : memref<4x128xi32, #tpu.memory_space<vmem>> -> memref<1x128xi32, #tpu.memory_space<vmem>>
      %dma_start3A_17 = tpu.memref_squeeze %dma_start3A_16 : memref<1x128xi32, #tpu.memory_space<vmem>> -> memref<128xi32, #tpu.memory_space<vmem>>
      %dma_start3A_18 = arith.constant 0 : i32
      %dma_start3A_19 = arith.constant 0 : i32
      %dma_start3A_20 = tpu.memref_slice %arg8[%dma_start3A_18, %dma_start3A_19] : memref<1000000x64xf32, #tpu.memory_space<hbm>> -> memref<1000000x64xf32, #tpu.memory_space<hbm>>
      tpu.enqueue_indirect_dma source(%dma_start3A_20 : memref<1000000x64xf32, #tpu.memory_space<hbm>>) target(%arg18 : memref<128x64xf32, #tpu.memory_space<vmem>>) offsets(%dma_start3A_17 : memref<128xi32, #tpu.memory_space<vmem>>) semaphore(%arg24 : memref<!tpu.dma_semaphore, #tpu.memory_space<semaphore_mem>>)
      %dma_start3A_21 = arith.constant 0 : i32
      %dma_start3A_22 = tpu.memref_slice %arg13[%scan3A_8, %dma_start3A_21] : memref<4x128xi32, #tpu.memory_space<vmem>> -> memref<1x128xi32, #tpu.memory_space<vmem>>
      %dma_start3A_23 = tpu.memref_squeeze %dma_start3A_22 : memref<1x128xi32, #tpu.memory_space<vmem>> -> memref<128xi32, #tpu.memory_space<vmem>>
      %dma_start3A_24 = arith.constant 0 : i32
      %dma_start3A_25 = arith.constant 0 : i32
      %dma_start3A_26 = tpu.memref_slice %arg9[%dma_start3A_24, %dma_start3A_25] : memref<1000x64xf32, #tpu.memory_space<hbm>> -> memref<1000x64xf32, #tpu.memory_space<hbm>>
      tpu.enqueue_indirect_dma source(%dma_start3A_26 : memref<1000x64xf32, #tpu.memory_space<hbm>>) target(%arg19 : memref<128x64xf32, #tpu.memory_space<vmem>>) offsets(%dma_start3A_23 : memref<128xi32, #tpu.memory_space<vmem>>) semaphore(%arg24 : memref<!tpu.dma_semaphore, #tpu.memory_space<semaphore_mem>>)
      %dma_start3A_27 = arith.constant 0 : i32
      %dma_start3A_28 = tpu.memref_slice %arg14[%scan3A_8, %dma_start3A_27] : memref<4x128xi32, #tpu.memory_space<vmem>> -> memref<1x128xi32, #tpu.memory_space<vmem>>
      %dma_start3A_29 = tpu.memref_squeeze %dma_start3A_28 : memref<1x128xi32, #tpu.memory_space<vmem>> -> memref<128xi32, #tpu.memory_space<vmem>>
      %dma_start3A_30 = arith.constant 0 : i32
      %dma_start3A_31 = arith.constant 0 : i32
      %dma_start3A_32 = tpu.memref_slice %arg8[%dma_start3A_30, %dma_start3A_31] : memref<1000000x64xf32, #tpu.memory_space<hbm>> -> memref<1000000x64xf32, #tpu.memory_space<hbm>>
      tpu.enqueue_indirect_dma source(%dma_start3A_32 : memref<1000000x64xf32, #tpu.memory_space<hbm>>) target(%arg20 : memref<128x64xf32, #tpu.memory_space<vmem>>) offsets(%dma_start3A_29 : memref<128xi32, #tpu.memory_space<vmem>>) semaphore(%arg24 : memref<!tpu.dma_semaphore, #tpu.memory_space<semaphore_mem>>)
      %dma_start3A_33 = arith.constant 0 : i32
      %dma_start3A_34 = tpu.memref_slice %arg15[%scan3A_8, %dma_start3A_33] : memref<4x128xi32, #tpu.memory_space<vmem>> -> memref<1x128xi32, #tpu.memory_space<vmem>>
      %dma_start3A_35 = tpu.memref_squeeze %dma_start3A_34 : memref<1x128xi32, #tpu.memory_space<vmem>> -> memref<128xi32, #tpu.memory_space<vmem>>
      %dma_start3A_36 = arith.constant 0 : i32
      %dma_start3A_37 = arith.constant 0 : i32
      %dma_start3A_38 = tpu.memref_slice %arg8[%dma_start3A_36, %dma_start3A_37] : memref<1000000x64xf32, #tpu.memory_space<hbm>> -> memref<1000000x64xf32, #tpu.memory_space<hbm>>
      tpu.enqueue_indirect_dma source(%dma_start3A_38 : memref<1000000x64xf32, #tpu.memory_space<hbm>>) target(%arg21 : memref<128x64xf32, #tpu.memory_space<vmem>>) offsets(%dma_start3A_35 : memref<128xi32, #tpu.memory_space<vmem>>) semaphore(%arg24 : memref<!tpu.dma_semaphore, #tpu.memory_space<semaphore_mem>>)
      %dma_start3A_39 = arith.constant 0 : i32
      %dma_start3A_40 = tpu.memref_slice %arg16[%scan3A_8, %dma_start3A_39] : memref<4x128xi32, #tpu.memory_space<vmem>> -> memref<1x128xi32, #tpu.memory_space<vmem>>
      %dma_start3A_41 = tpu.memref_squeeze %dma_start3A_40 : memref<1x128xi32, #tpu.memory_space<vmem>> -> memref<128xi32, #tpu.memory_space<vmem>>
      %dma_start3A_42 = arith.constant 0 : i32
      %dma_start3A_43 = arith.constant 0 : i32
      %dma_start3A_44 = tpu.memref_slice %arg9[%dma_start3A_42, %dma_start3A_43] : memref<1000x64xf32, #tpu.memory_space<hbm>> -> memref<1000x64xf32, #tpu.memory_space<hbm>>
      tpu.enqueue_indirect_dma source(%dma_start3A_44 : memref<1000x64xf32, #tpu.memory_space<hbm>>) target(%arg22 : memref<128x64xf32, #tpu.memory_space<vmem>>) offsets(%dma_start3A_41 : memref<128xi32, #tpu.memory_space<vmem>>) semaphore(%arg24 : memref<!tpu.dma_semaphore, #tpu.memory_space<semaphore_mem>>)
      %dma_wait3A = arith.constant 0 : i32
      %dma_wait3A_45 = tpu.memref_slice %arg11[%scan3A_8, %dma_wait3A] : memref<4x128xi32, #tpu.memory_space<vmem>> -> memref<1x128xi32, #tpu.memory_space<vmem>>
      %dma_wait3A_46 = tpu.memref_squeeze %dma_wait3A_45 : memref<1x128xi32, #tpu.memory_space<vmem>> -> memref<128xi32, #tpu.memory_space<vmem>>
      %dma_wait3A_47 = arith.constant 0 : i32
      %dma_wait3A_48 = arith.constant 0 : i32
      %dma_wait3A_49 = tpu.memref_slice %arg8[%dma_wait3A_47, %dma_wait3A_48] : memref<1000000x64xf32, #tpu.memory_space<hbm>> -> memref<1000000x64xf32, #tpu.memory_space<hbm>>
      tpu.wait_indirect_dma semaphore(%arg24 : memref<!tpu.dma_semaphore, #tpu.memory_space<semaphore_mem>>) src(%dma_wait3A_49 : memref<1000000x64xf32, #tpu.memory_space<hbm>>) dst(%arg17 : memref<128x64xf32, #tpu.memory_space<vmem>>)
      %dma_wait3A_50 = arith.constant 0 : i32
      %dma_wait3A_51 = tpu.memref_slice %arg12[%scan3A_8, %dma_wait3A_50] : memref<4x128xi32, #tpu.memory_space<vmem>> -> memref<1x128xi32, #tpu.memory_space<vmem>>
      %dma_wait3A_52 = tpu.memref_squeeze %dma_wait3A_51 : memref<1x128xi32, #tpu.memory_space<vmem>> -> memref<128xi32, #tpu.memory_space<vmem>>
      %dma_wait3A_53 = arith.constant 0 : i32
      %dma_wait3A_54 = arith.constant 0 : i32
      %dma_wait3A_55 = tpu.memref_slice %arg8[%dma_wait3A_53, %dma_wait3A_54] : memref<1000000x64xf32, #tpu.memory_space<hbm>> -> memref<1000000x64xf32, #tpu.memory_space<hbm>>
      tpu.wait_indirect_dma semaphore(%arg24 : memref<!tpu.dma_semaphore, #tpu.memory_space<semaphore_mem>>) src(%dma_wait3A_55 : memref<1000000x64xf32, #tpu.memory_space<hbm>>) dst(%arg18 : memref<128x64xf32, #tpu.memory_space<vmem>>)
      %dma_wait3A_56 = arith.constant 0 : i32
      %dma_wait3A_57 = tpu.memref_slice %arg13[%scan3A_8, %dma_wait3A_56] : memref<4x128xi32, #tpu.memory_space<vmem>> -> memref<1x128xi32, #tpu.memory_space<vmem>>
      %dma_wait3A_58 = tpu.memref_squeeze %dma_wait3A_57 : memref<1x128xi32, #tpu.memory_space<vmem>> -> memref<128xi32, #tpu.memory_space<vmem>>
      %dma_wait3A_59 = arith.constant 0 : i32
      %dma_wait3A_60 = arith.constant 0 : i32
      %dma_wait3A_61 = tpu.memref_slice %arg9[%dma_wait3A_59, %dma_wait3A_60] : memref<1000x64xf32, #tpu.memory_space<hbm>> -> memref<1000x64xf32, #tpu.memory_space<hbm>>
      tpu.wait_indirect_dma semaphore(%arg24 : memref<!tpu.dma_semaphore, #tpu.memory_space<semaphore_mem>>) src(%dma_wait3A_61 : memref<1000x64xf32, #tpu.memory_space<hbm>>) dst(%arg19 : memref<128x64xf32, #tpu.memory_space<vmem>>)
      %dma_wait3A_62 = arith.constant 0 : i32
      %dma_wait3A_63 = tpu.memref_slice %arg14[%scan3A_8, %dma_wait3A_62] : memref<4x128xi32, #tpu.memory_space<vmem>> -> memref<1x128xi32, #tpu.memory_space<vmem>>
      %dma_wait3A_64 = tpu.memref_squeeze %dma_wait3A_63 : memref<1x128xi32, #tpu.memory_space<vmem>> -> memref<128xi32, #tpu.memory_space<vmem>>
      %dma_wait3A_65 = arith.constant 0 : i32
      %dma_wait3A_66 = arith.constant 0 : i32
      %dma_wait3A_67 = tpu.memref_slice %arg8[%dma_wait3A_65, %dma_wait3A_66] : memref<1000000x64xf32, #tpu.memory_space<hbm>> -> memref<1000000x64xf32, #tpu.memory_space<hbm>>
      tpu.wait_indirect_dma semaphore(%arg24 : memref<!tpu.dma_semaphore, #tpu.memory_space<semaphore_mem>>) src(%dma_wait3A_67 : memref<1000000x64xf32, #tpu.memory_space<hbm>>) dst(%arg20 : memref<128x64xf32, #tpu.memory_space<vmem>>)
      %dma_wait3A_68 = arith.constant 0 : i32
      %dma_wait3A_69 = tpu.memref_slice %arg15[%scan3A_8, %dma_wait3A_68] : memref<4x128xi32, #tpu.memory_space<vmem>> -> memref<1x128xi32, #tpu.memory_space<vmem>>
      %dma_wait3A_70 = tpu.memref_squeeze %dma_wait3A_69 : memref<1x128xi32, #tpu.memory_space<vmem>> -> memref<128xi32, #tpu.memory_space<vmem>>
      %dma_wait3A_71 = arith.constant 0 : i32
      %dma_wait3A_72 = arith.constant 0 : i32
      %dma_wait3A_73 = tpu.memref_slice %arg8[%dma_wait3A_71, %dma_wait3A_72] : memref<1000000x64xf32, #tpu.memory_space<hbm>> -> memref<1000000x64xf32, #tpu.memory_space<hbm>>
      tpu.wait_indirect_dma semaphore(%arg24 : memref<!tpu.dma_semaphore, #tpu.memory_space<semaphore_mem>>) src(%dma_wait3A_73 : memref<1000000x64xf32, #tpu.memory_space<hbm>>) dst(%arg21 : memref<128x64xf32, #tpu.memory_space<vmem>>)
      %dma_wait3A_74 = arith.constant 0 : i32
      %dma_wait3A_75 = tpu.memref_slice %arg16[%scan3A_8, %dma_wait3A_74] : memref<4x128xi32, #tpu.memory_space<vmem>> -> memref<1x128xi32, #tpu.memory_space<vmem>>
      %dma_wait3A_76 = tpu.memref_squeeze %dma_wait3A_75 : memref<1x128xi32, #tpu.memory_space<vmem>> -> memref<128xi32, #tpu.memory_space<vmem>>
      %dma_wait3A_77 = arith.constant 0 : i32
      %dma_wait3A_78 = arith.constant 0 : i32
      %dma_wait3A_79 = tpu.memref_slice %arg9[%dma_wait3A_77, %dma_wait3A_78] : memref<1000x64xf32, #tpu.memory_space<hbm>> -> memref<1000x64xf32, #tpu.memory_space<hbm>>
      tpu.wait_indirect_dma semaphore(%arg24 : memref<!tpu.dma_semaphore, #tpu.memory_space<semaphore_mem>>) src(%dma_wait3A_79 : memref<1000x64xf32, #tpu.memory_space<hbm>>) dst(%arg22 : memref<128x64xf32, #tpu.memory_space<vmem>>)
      %scan3A_80 = arith.constant 0 : i32
      %scan3A_81 = arith.constant 8 : i32
      %scan3A_82 = arith.addi %scan3A_80, %scan3A_81 : i32
      %scan3A_83 = arith.constant 1 : i32
      %scan3A_84 = scf.for %scan3A_86 = %scan3A_80 to %scan3A_82 step %scan3A_83 iter_args(%scan3A_87 = %scan3A_9) -> (vector<16xf32>)  : i32 {
        %mul3A_88 = arith.constant 16 : i32
        %mul3A_89 = arith.muli %scan3A_86, %mul3A_88 : i32
        %add3A_90 = vector.broadcast %mul3A_89 : i32 to vector<16xi32>
        %add3A_91 = arith.addi %add3A_90, %iota3A : vector<16xi32>
        %broadcast_in_dim3A_92 = arith.constant 0.000000e+00 : f32
        %broadcast_in_dim3A_93 = vector.broadcast %broadcast_in_dim3A_92 : f32 to vector<16xf32>
        %scan3A_94 = arith.constant 0 : i32
        %scan3A_95 = arith.constant 8 : i32
        %scan3A_96 = arith.addi %scan3A_94, %scan3A_95 : i32
        %scan3A_97 = arith.constant 1 : i32
        %scan3A_98:2 = scf.for %scan3A_106 = %scan3A_94 to %scan3A_96 step %scan3A_97 iter_args(%scan3A_107 = %broadcast_in_dim3A_93, %scan3A_108 = %broadcast_in_dim3A_93) -> (vector<16xf32>, vector<16xf32>)  : i32 {
          %mul3A_109 = arith.constant 8 : i32
          %mul3A_110 = arith.muli %scan3A_106, %mul3A_109 : i32
          %add3A_111 = arith.constant 0 : i32
          %add3A_112 = arith.addi %mul3A_110, %add3A_111 : i32
          %broadcast_in_dim3A_113 = arith.constant 0 : i32
          %broadcast_in_dim3A_114 = vector.broadcast %broadcast_in_dim3A_113 : i32 to vector<16xi32>
          %add3A_115 = vector.broadcast %add3A_112 : i32 to vector<16xi32>
          %add3A_116 = arith.addi %add3A_115, %broadcast_in_dim3A_114 : vector<16xi32>
          %gather3A = tpu.vector_load_idx %arg17[%add3A_91, %add3A_116] : memref<128x64xf32, #tpu.memory_space<vmem>>[vector<16xi32>, vector<16xi32>], vector<16xf32>,
          %gather3A_117 = tpu.vector_load_idx %arg18[%add3A_91, %add3A_116] : memref<128x64xf32, #tpu.memory_space<vmem>>[vector<16xi32>, vector<16xi32>], vector<16xf32>,
          %gather3A_118 = tpu.vector_load_idx %arg19[%add3A_91, %add3A_116] : memref<128x64xf32, #tpu.memory_space<vmem>>[vector<16xi32>, vector<16xi32>], vector<16xf32>,
          %gather3A_119 = tpu.vector_load_idx %arg20[%add3A_91, %add3A_116] : memref<128x64xf32, #tpu.memory_space<vmem>>[vector<16xi32>, vector<16xi32>], vector<16xf32>,
          %gather3A_120 = tpu.vector_load_idx %arg21[%add3A_91, %add3A_116] : memref<128x64xf32, #tpu.memory_space<vmem>>[vector<16xi32>, vector<16xi32>], vector<16xf32>,
          %gather3A_121 = tpu.vector_load_idx %arg22[%add3A_91, %add3A_116] : memref<128x64xf32, #tpu.memory_space<vmem>>[vector<16xi32>, vector<16xi32>], vector<16xf32>,
          %add3A_122 = arith.addf %gather3A, %gather3A_118 : vector<16xf32>
          %sub3A_123 = arith.subf %add3A_122, %gather3A_117 : vector<16xf32>
          %abs3A = math.absf %sub3A_123 : vector<16xf32>
          %add3A_124 = arith.addf %scan3A_107, %abs3A : vector<16xf32>
          %add3A_125 = arith.addf %gather3A_119, %gather3A_121 : vector<16xf32>
          %sub3A_126 = arith.subf %add3A_125, %gather3A_120 : vector<16xf32>
          %abs3A_127 = math.absf %sub3A_126 : vector<16xf32>
          %add3A_128 = arith.addf %scan3A_108, %abs3A_127 : vector<16xf32>
          %mul3A_129 = arith.constant 8 : i32
          %mul3A_130 = arith.muli %scan3A_106, %mul3A_129 : i32
          %add3A_131 = arith.constant 1 : i32
          %add3A_132 = arith.addi %mul3A_130, %add3A_131 : i32
          %broadcast_in_dim3A_133 = arith.constant 0 : i32
          %broadcast_in_dim3A_134 = vector.broadcast %broadcast_in_dim3A_133 : i32 to vector<16xi32>
          %add3A_135 = vector.broadcast %add3A_132 : i32 to vector<16xi32>
          %add3A_136 = arith.addi %add3A_135, %broadcast_in_dim3A_134 : vector<16xi32>
          %gather3A_137 = tpu.vector_load_idx %arg17[%add3A_91, %add3A_136] : memref<128x64xf32, #tpu.memory_space<vmem>>[vector<16xi32>, vector<16xi32>], vector<16xf32>,
          %gather3A_138 = tpu.vector_load_idx %arg18[%add3A_91, %add3A_136] : memref<128x64xf32, #tpu.memory_space<vmem>>[vector<16xi32>, vector<16xi32>], vector<16xf32>,
          %gather3A_139 = tpu.vector_load_idx %arg19[%add3A_91, %add3A_136] : memref<128x64xf32, #tpu.memory_space<vmem>>[vector<16xi32>, vector<16xi32>], vector<16xf32>,
          %gather3A_140 = tpu.vector_load_idx %arg20[%add3A_91, %add3A_136] : memref<128x64xf32, #tpu.memory_space<vmem>>[vector<16xi32>, vector<16xi32>], vector<16xf32>,
          %gather3A_141 = tpu.vector_load_idx %arg21[%add3A_91, %add3A_136] : memref<128x64xf32, #tpu.memory_space<vmem>>[vector<16xi32>, vector<16xi32>], vector<16xf32>,
          %gather3A_142 = tpu.vector_load_idx %arg22[%add3A_91, %add3A_136] : memref<128x64xf32, #tpu.memory_space<vmem>>[vector<16xi32>, vector<16xi32>], vector<16xf32>,
          %add3A_143 = arith.addf %gather3A_137, %gather3A_139 : vector<16xf32>
          %sub3A_144 = arith.subf %add3A_143, %gather3A_138 : vector<16xf32>
          %abs3A_145 = math.absf %sub3A_144 : vector<16xf32>
          %add3A_146 = arith.addf %add3A_124, %abs3A_145 : vector<16xf32>
          %add3A_147 = arith.addf %gather3A_140, %gather3A_142 : vector<16xf32>
          %sub3A_148 = arith.subf %add3A_147, %gather3A_141 : vector<16xf32>
          %abs3A_149 = math.absf %sub3A_148 : vector<16xf32>
          %add3A_150 = arith.addf %add3A_128, %abs3A_149 : vector<16xf32>
          %mul3A_151 = arith.constant 8 : i32
          %mul3A_152 = arith.muli %scan3A_106, %mul3A_151 : i32
          %add3A_153 = arith.constant 2 : i32
          %add3A_154 = arith.addi %mul3A_152, %add3A_153 : i32
          %broadcast_in_dim3A_155 = arith.constant 0 : i32
          %broadcast_in_dim3A_156 = vector.broadcast %broadcast_in_dim3A_155 : i32 to vector<16xi32>
          %add3A_157 = vector.broadcast %add3A_154 : i32 to vector<16xi32>
          %add3A_158 = arith.addi %add3A_157, %broadcast_in_dim3A_156 : vector<16xi32>
          %gather3A_159 = tpu.vector_load_idx %arg17[%add3A_91, %add3A_158] : memref<128x64xf32, #tpu.memory_space<vmem>>[vector<16xi32>, vector<16xi32>], vector<16xf32>,
          %gather3A_160 = tpu.vector_load_idx %arg18[%add3A_91, %add3A_158] : memref<128x64xf32, #tpu.memory_space<vmem>>[vector<16xi32>, vector<16xi32>], vector<16xf32>,
          %gather3A_161 = tpu.vector_load_idx %arg19[%add3A_91, %add3A_158] : memref<128x64xf32, #tpu.memory_space<vmem>>[vector<16xi32>, vector<16xi32>], vector<16xf32>,
          %gather3A_162 = tpu.vector_load_idx %arg20[%add3A_91, %add3A_158] : memref<128x64xf32, #tpu.memory_space<vmem>>[vector<16xi32>, vector<16xi32>], vector<16xf32>,
          %gather3A_163 = tpu.vector_load_idx %arg21[%add3A_91, %add3A_158] : memref<128x64xf32, #tpu.memory_space<vmem>>[vector<16xi32>, vector<16xi32>], vector<16xf32>,
          %gather3A_164 = tpu.vector_load_idx %arg22[%add3A_91, %add3A_158] : memref<128x64xf32, #tpu.memory_space<vmem>>[vector<16xi32>, vector<16xi32>], vector<16xf32>,
          %add3A_165 = arith.addf %gather3A_159, %gather3A_161 : vector<16xf32>
          %sub3A_166 = arith.subf %add3A_165, %gather3A_160 : vector<16xf32>
          %abs3A_167 = math.absf %sub3A_166 : vector<16xf32>
          %add3A_168 = arith.addf %add3A_146, %abs3A_167 : vector<16xf32>
          %add3A_169 = arith.addf %gather3A_162, %gather3A_164 : vector<16xf32>
          %sub3A_170 = arith.subf %add3A_169, %gather3A_163 : vector<16xf32>
          %abs3A_171 = math.absf %sub3A_170 : vector<16xf32>
          %add3A_172 = arith.addf %add3A_150, %abs3A_171 : vector<16xf32>
          %mul3A_173 = arith.constant 8 : i32
          %mul3A_174 = arith.muli %scan3A_106, %mul3A_173 : i32
          %add3A_175 = arith.constant 3 : i32
          %add3A_176 = arith.addi %mul3A_174, %add3A_175 : i32
          %broadcast_in_dim3A_177 = arith.constant 0 : i32
          %broadcast_in_dim3A_178 = vector.broadcast %broadcast_in_dim3A_177 : i32 to vector<16xi32>
          %add3A_179 = vector.broadcast %add3A_176 : i32 to vector<16xi32>
          %add3A_180 = arith.addi %add3A_179, %broadcast_in_dim3A_178 : vector<16xi32>
          %gather3A_181 = tpu.vector_load_idx %arg17[%add3A_91, %add3A_180] : memref<128x64xf32, #tpu.memory_space<vmem>>[vector<16xi32>, vector<16xi32>], vector<16xf32>,
          %gather3A_182 = tpu.vector_load_idx %arg18[%add3A_91, %add3A_180] : memref<128x64xf32, #tpu.memory_space<vmem>>[vector<16xi32>, vector<16xi32>], vector<16xf32>,
          %gather3A_183 = tpu.vector_load_idx %arg19[%add3A_91, %add3A_180] : memref<128x64xf32, #tpu.memory_space<vmem>>[vector<16xi32>, vector<16xi32>], vector<16xf32>,
          %gather3A_184 = tpu.vector_load_idx %arg20[%add3A_91, %add3A_180] : memref<128x64xf32, #tpu.memory_space<vmem>>[vector<16xi32>, vector<16xi32>], vector<16xf32>,
          %gather3A_185 = tpu.vector_load_idx %arg21[%add3A_91, %add3A_180] : memref<128x64xf32, #tpu.memory_space<vmem>>[vector<16xi32>, vector<16xi32>], vector<16xf32>,
          %gather3A_186 = tpu.vector_load_idx %arg22[%add3A_91, %add3A_180] : memref<128x64xf32, #tpu.memory_space<vmem>>[vector<16xi32>, vector<16xi32>], vector<16xf32>,
          %add3A_187 = arith.addf %gather3A_181, %gather3A_183 : vector<16xf32>
          %sub3A_188 = arith.subf %add3A_187, %gather3A_182 : vector<16xf32>
          %abs3A_189 = math.absf %sub3A_188 : vector<16xf32>
          %add3A_190 = arith.addf %add3A_168, %abs3A_189 : vector<16xf32>
          %add3A_191 = arith.addf %gather3A_184, %gather3A_186 : vector<16xf32>
          %sub3A_192 = arith.subf %add3A_191, %gather3A_185 : vector<16xf32>
          %abs3A_193 = math.absf %sub3A_192 : vector<16xf32>
          %add3A_194 = arith.addf %add3A_172, %abs3A_193 : vector<16xf32>
          %mul3A_195 = arith.constant 8 : i32
          %mul3A_196 = arith.muli %scan3A_106, %mul3A_195 : i32
          %add3A_197 = arith.constant 4 : i32
          %add3A_198 = arith.addi %mul3A_196, %add3A_197 : i32
          %broadcast_in_dim3A_199 = arith.constant 0 : i32
          %broadcast_in_dim3A_200 = vector.broadcast %broadcast_in_dim3A_199 : i32 to vector<16xi32>
          %add3A_201 = vector.broadcast %add3A_198 : i32 to vector<16xi32>
          %add3A_202 = arith.addi %add3A_201, %broadcast_in_dim3A_200 : vector<16xi32>
          %gather3A_203 = tpu.vector_load_idx %arg17[%add3A_91, %add3A_202] : memref<128x64xf32, #tpu.memory_space<vmem>>[vector<16xi32>, vector<16xi32>], vector<16xf32>,
          %gather3A_204 = tpu.vector_load_idx %arg18[%add3A_91, %add3A_202] : memref<128x64xf32, #tpu.memory_space<vmem>>[vector<16xi32>, vector<16xi32>], vector<16xf32>,
          %gather3A_205 = tpu.vector_load_idx %arg19[%add3A_91, %add3A_202] : memref<128x64xf32, #tpu.memory_space<vmem>>[vector<16xi32>, vector<16xi32>], vector<16xf32>,
          %gather3A_206 = tpu.vector_load_idx %arg20[%add3A_91, %add3A_202] : memref<128x64xf32, #tpu.memory_space<vmem>>[vector<16xi32>, vector<16xi32>], vector<16xf32>,
          %gather3A_207 = tpu.vector_load_idx %arg21[%add3A_91, %add3A_202] : memref<128x64xf32, #tpu.memory_space<vmem>>[vector<16xi32>, vector<16xi32>], vector<16xf32>,
          %gather3A_208 = tpu.vector_load_idx %arg22[%add3A_91, %add3A_202] : memref<128x64xf32, #tpu.memory_space<vmem>>[vector<16xi32>, vector<16xi32>], vector<16xf32>,
          %add3A_209 = arith.addf %gather3A_203, %gather3A_205 : vector<16xf32>
          %sub3A_210 = arith.subf %add3A_209, %gather3A_204 : vector<16xf32>
          %abs3A_211 = math.absf %sub3A_210 : vector<16xf32>
          %add3A_212 = arith.addf %add3A_190, %abs3A_211 : vector<16xf32>
          %add3A_213 = arith.addf %gather3A_206, %gather3A_208 : vector<16xf32>
          %sub3A_214 = arith.subf %add3A_213, %gather3A_207 : vector<16xf32>
          %abs3A_215 = math.absf %sub3A_214 : vector<16xf32>
          %add3A_216 = arith.addf %add3A_194, %abs3A_215 : vector<16xf32>
          %mul3A_217 = arith.constant 8 : i32
          %mul3A_218 = arith.muli %scan3A_106, %mul3A_217 : i32
          %add3A_219 = arith.constant 5 : i32
          %add3A_220 = arith.addi %mul3A_218, %add3A_219 : i32
          %broadcast_in_dim3A_221 = arith.constant 0 : i32
          %broadcast_in_dim3A_222 = vector.broadcast %broadcast_in_dim3A_221 : i32 to vector<16xi32>
          %add3A_223 = vector.broadcast %add3A_220 : i32 to vector<16xi32>
          %add3A_224 = arith.addi %add3A_223, %broadcast_in_dim3A_222 : vector<16xi32>
          %gather3A_225 = tpu.vector_load_idx %arg17[%add3A_91, %add3A_224] : memref<128x64xf32, #tpu.memory_space<vmem>>[vector<16xi32>, vector<16xi32>], vector<16xf32>,
          %gather3A_226 = tpu.vector_load_idx %arg18[%add3A_91, %add3A_224] : memref<128x64xf32, #tpu.memory_space<vmem>>[vector<16xi32>, vector<16xi32>], vector<16xf32>,
          %gather3A_227 = tpu.vector_load_idx %arg19[%add3A_91, %add3A_224] : memref<128x64xf32, #tpu.memory_space<vmem>>[vector<16xi32>, vector<16xi32>], vector<16xf32>,
          %gather3A_228 = tpu.vector_load_idx %arg20[%add3A_91, %add3A_224] : memref<128x64xf32, #tpu.memory_space<vmem>>[vector<16xi32>, vector<16xi32>], vector<16xf32>,
          %gather3A_229 = tpu.vector_load_idx %arg21[%add3A_91, %add3A_224] : memref<128x64xf32, #tpu.memory_space<vmem>>[vector<16xi32>, vector<16xi32>], vector<16xf32>,
          %gather3A_230 = tpu.vector_load_idx %arg22[%add3A_91, %add3A_224] : memref<128x64xf32, #tpu.memory_space<vmem>>[vector<16xi32>, vector<16xi32>], vector<16xf32>,
          %add3A_231 = arith.addf %gather3A_225, %gather3A_227 : vector<16xf32>
          %sub3A_232 = arith.subf %add3A_231, %gather3A_226 : vector<16xf32>
          %abs3A_233 = math.absf %sub3A_232 : vector<16xf32>
          %add3A_234 = arith.addf %add3A_212, %abs3A_233 : vector<16xf32>
          %add3A_235 = arith.addf %gather3A_228, %gather3A_230 : vector<16xf32>
          %sub3A_236 = arith.subf %add3A_235, %gather3A_229 : vector<16xf32>
          %abs3A_237 = math.absf %sub3A_236 : vector<16xf32>
          %add3A_238 = arith.addf %add3A_216, %abs3A_237 : vector<16xf32>
          %mul3A_239 = arith.constant 8 : i32
          %mul3A_240 = arith.muli %scan3A_106, %mul3A_239 : i32
          %add3A_241 = arith.constant 6 : i32
          %add3A_242 = arith.addi %mul3A_240, %add3A_241 : i32
          %broadcast_in_dim3A_243 = arith.constant 0 : i32
          %broadcast_in_dim3A_244 = vector.broadcast %broadcast_in_dim3A_243 : i32 to vector<16xi32>
          %add3A_245 = vector.broadcast %add3A_242 : i32 to vector<16xi32>
          %add3A_246 = arith.addi %add3A_245, %broadcast_in_dim3A_244 : vector<16xi32>
          %gather3A_247 = tpu.vector_load_idx %arg17[%add3A_91, %add3A_246] : memref<128x64xf32, #tpu.memory_space<vmem>>[vector<16xi32>, vector<16xi32>], vector<16xf32>,
          %gather3A_248 = tpu.vector_load_idx %arg18[%add3A_91, %add3A_246] : memref<128x64xf32, #tpu.memory_space<vmem>>[vector<16xi32>, vector<16xi32>], vector<16xf32>,
          %gather3A_249 = tpu.vector_load_idx %arg19[%add3A_91, %add3A_246] : memref<128x64xf32, #tpu.memory_space<vmem>>[vector<16xi32>, vector<16xi32>], vector<16xf32>,
          %gather3A_250 = tpu.vector_load_idx %arg20[%add3A_91, %add3A_246] : memref<128x64xf32, #tpu.memory_space<vmem>>[vector<16xi32>, vector<16xi32>], vector<16xf32>,
          %gather3A_251 = tpu.vector_load_idx %arg21[%add3A_91, %add3A_246] : memref<128x64xf32, #tpu.memory_space<vmem>>[vector<16xi32>, vector<16xi32>], vector<16xf32>,
          %gather3A_252 = tpu.vector_load_idx %arg22[%add3A_91, %add3A_246] : memref<128x64xf32, #tpu.memory_space<vmem>>[vector<16xi32>, vector<16xi32>], vector<16xf32>,
          %add3A_253 = arith.addf %gather3A_247, %gather3A_249 : vector<16xf32>
          %sub3A_254 = arith.subf %add3A_253, %gather3A_248 : vector<16xf32>
          %abs3A_255 = math.absf %sub3A_254 : vector<16xf32>
          %add3A_256 = arith.addf %add3A_234, %abs3A_255 : vector<16xf32>
          %add3A_257 = arith.addf %gather3A_250, %gather3A_252 : vector<16xf32>
          %sub3A_258 = arith.subf %add3A_257, %gather3A_251 : vector<16xf32>
          %abs3A_259 = math.absf %sub3A_258 : vector<16xf32>
          %add3A_260 = arith.addf %add3A_238, %abs3A_259 : vector<16xf32>
          %mul3A_261 = arith.constant 8 : i32
          %mul3A_262 = arith.muli %scan3A_106, %mul3A_261 : i32
          %add3A_263 = arith.constant 7 : i32
          %add3A_264 = arith.addi %mul3A_262, %add3A_263 : i32
          %broadcast_in_dim3A_265 = arith.constant 0 : i32
          %broadcast_in_dim3A_266 = vector.broadcast %broadcast_in_dim3A_265 : i32 to vector<16xi32>
          %add3A_267 = vector.broadcast %add3A_264 : i32 to vector<16xi32>
          %add3A_268 = arith.addi %add3A_267, %broadcast_in_dim3A_266 : vector<16xi32>
          %gather3A_269 = tpu.vector_load_idx %arg17[%add3A_91, %add3A_268] : memref<128x64xf32, #tpu.memory_space<vmem>>[vector<16xi32>, vector<16xi32>], vector<16xf32>,
          %gather3A_270 = tpu.vector_load_idx %arg18[%add3A_91, %add3A_268] : memref<128x64xf32, #tpu.memory_space<vmem>>[vector<16xi32>, vector<16xi32>], vector<16xf32>,
          %gather3A_271 = tpu.vector_load_idx %arg19[%add3A_91, %add3A_268] : memref<128x64xf32, #tpu.memory_space<vmem>>[vector<16xi32>, vector<16xi32>], vector<16xf32>,
          %gather3A_272 = tpu.vector_load_idx %arg20[%add3A_91, %add3A_268] : memref<128x64xf32, #tpu.memory_space<vmem>>[vector<16xi32>, vector<16xi32>], vector<16xf32>,
          %gather3A_273 = tpu.vector_load_idx %arg21[%add3A_91, %add3A_268] : memref<128x64xf32, #tpu.memory_space<vmem>>[vector<16xi32>, vector<16xi32>], vector<16xf32>,
          %gather3A_274 = tpu.vector_load_idx %arg22[%add3A_91, %add3A_268] : memref<128x64xf32, #tpu.memory_space<vmem>>[vector<16xi32>, vector<16xi32>], vector<16xf32>,
          %add3A_275 = arith.addf %gather3A_269, %gather3A_271 : vector<16xf32>
          %sub3A_276 = arith.subf %add3A_275, %gather3A_270 : vector<16xf32>
          %abs3A_277 = math.absf %sub3A_276 : vector<16xf32>
          %add3A_278 = arith.addf %add3A_256, %abs3A_277 : vector<16xf32>
          %add3A_279 = arith.addf %gather3A_272, %gather3A_274 : vector<16xf32>
          %sub3A_280 = arith.subf %add3A_279, %gather3A_273 : vector<16xf32>
          %abs3A_281 = math.absf %sub3A_280 : vector<16xf32>
          %add3A_282 = arith.addf %add3A_260, %abs3A_281 : vector<16xf32>
          scf.yield %add3A_278, %add3A_282 : vector<16xf32>, vector<16xf32>
        }
        %scan3A_99 = arith.constant 8 : i32
        %sub3A = arith.subf %scan3A_98#0, %scan3A_98#1 : vector<16xf32>
        %add3A_100 = arith.constant 1.000000e+00 : f32
        %add3A_101 = vector.broadcast %add3A_100 : f32 to vector<16xf32>
        %add3A_102 = arith.addf %sub3A, %add3A_101 : vector<16xf32>
        %max3A = arith.constant 0.000000e+00 : f32
        %max3A_103 = vector.broadcast %max3A : f32 to vector<16xf32>
        %max3A_104 = arith.maximumf %add3A_102, %max3A_103 : vector<16xf32>
        %add3A_105 = arith.addf %scan3A_87, %max3A_104 : vector<16xf32>
        scf.yield %add3A_105 : vector<16xf32>
      }
      %scan3A_85 = arith.constant 8 : i32
      scf.yield %scan3A_84 : vector<16xf32>
    }
    %scan3A_6 = arith.constant 4 : i32
    %swap3A = arith.constant 0 : index
    %swap3A_7 = tpu.vector_load %arg23[%swap3A] {strides = array<i32>} : memref<16xf32, #tpu.memory_space<vmem>>, vector<16xf32>,
    tpu.vector_store %arg23[%swap3A], %scan3A_5 {strides = array<i32>} : memref<16xf32, #tpu.memory_space<vmem>>, vector<16xf32>,
    "tpu.region"() ({
      %run_scoped3A = tpu.sem_alloc : memref<!tpu.dma_semaphore, #tpu.memory_space<semaphore_mem>>
      %dma_start3A = arith.constant 0 : i32
      %dma_start3A_8 = tpu.memref_slice %arg10[%add3A, %dma_start3A] : memref<32x16xf32, #tpu.memory_space<hbm>> -> memref<1x16xf32, #tpu.memory_space<hbm>>
      %dma_start3A_9 = tpu.memref_squeeze %dma_start3A_8 : memref<1x16xf32, #tpu.memory_space<hbm>> -> memref<16xf32, #tpu.memory_space<hbm>>
      %dma_start3A_10 = arith.constant 0 : i32
      %dma_start3A_11 = tpu.memref_slice %arg10[%add3A, %dma_start3A_10] : memref<32x16xf32, #tpu.memory_space<hbm>> -> memref<1x16xf32, #tpu.memory_space<hbm>>
      %dma_start3A_12 = tpu.memref_squeeze %dma_start3A_11 : memref<1x16xf32, #tpu.memory_space<hbm>> -> memref<16xf32, #tpu.memory_space<hbm>>
      tpu.enqueue_dma source(%arg23 : memref<16xf32, #tpu.memory_space<vmem>>) target(%dma_start3A_12 : memref<16xf32, #tpu.memory_space<hbm>>) target_semaphore(%run_scoped3A : memref<!tpu.dma_semaphore, #tpu.memory_space<semaphore_mem>>)
      %dma_wait3A = arith.constant 0 : i32
      %dma_wait3A_13 = tpu.memref_slice %arg10[%add3A, %dma_wait3A] : memref<32x16xf32, #tpu.memory_space<hbm>> -> memref<1x16xf32, #tpu.memory_space<hbm>>
      %dma_wait3A_14 = tpu.memref_squeeze %dma_wait3A_13 : memref<1x16xf32, #tpu.memory_space<hbm>> -> memref<16xf32, #tpu.memory_space<hbm>>
      %dma_wait3A_15 = arith.constant 0 : i32
      %dma_wait3A_16 = tpu.memref_slice %arg10[%add3A, %dma_wait3A_15] : memref<32x16xf32, #tpu.memory_space<hbm>> -> memref<1x16xf32, #tpu.memory_space<hbm>>
      %dma_wait3A_17 = tpu.memref_squeeze %dma_wait3A_16 : memref<1x16xf32, #tpu.memory_space<hbm>> -> memref<16xf32, #tpu.memory_space<hbm>>
      tpu.wait_dma2 semaphore(%run_scoped3A : memref<!tpu.dma_semaphore, #tpu.memory_space<semaphore_mem>>) src(%arg23 : memref<16xf32, #tpu.memory_space<vmem>>) dst(%dma_wait3A_17 : memref<16xf32, #tpu.memory_space<hbm>>)
      tpu.yield
    }) : () -> ()
    return
  }
}

</mosaic_0001>

<sc_bundles>
// kernel: _run.3.cloned.1.call-start
scs
__scs_entry_jumppad:
0x0: {  	(pc) =	sbr.rel $0x88, $3  }
0x1: {  	(tag) =	ssettag $0x0;
	lr =	simm.s32 $0x1  }
0x2: {  	[smem:$0x3F99] =	sst lr;
	_ =	strace $0xD0000000  }
0x3: {  	_ = 	snop  }
0x4: {  	_ = 	snop  }
0x5: {  	_ = 	snop  }
0x6: {  	_ = 	snop  }
0x7: {  	_ = 	snop  }
__scs_overlays_trampoline_lowered:
0x8: {  	[smem:$0x3FA8] =	sst s0  }
0x9: {  	[smem:$0x3FA9] =	sst s1  }
0xa: {  	[smem:$0x3FAA] =	sst s2  }
0xb: {  	[smem:$0x3FAB] =	sst s3  }
0xc: {  	[smem:$0x3FAC] =	sst s4  }
0xd: {  	[smem:$0x3FAD] =	sst s5  }
0xe: {  	[smem:$0x3FAE] =	sst s6  }
0xf: {  	[smem:$0x3FAF] =	sst s7  }
0x10: {  	[smem:$0x3FB0] =	sst s8  }
0x11: {  	[smem:$0x3FB1] =	sst s9;
	s0 =	simm.s32 @!p0 $0x0  }
0x12: {  	s1 =	sld [smem:$0x3F97];
	s0 =	simm.s32 @p0 $0x1  }
0x13: {  	[smem:$0x3FB2] =	sst s0;
	s0 =	simm.s32 @!p1 $0x0  }
0x14: {  	s2 =	sld [smem:$0x3F96];
	s0 =	simm.s32 @p1 $0x1  }
0x15: {  	[smem:$0x3FB3] =	sst s0;
	s0 =	simm.s32 @!p2 $0x0  }
0x16: {  	s3 =	sld [smem:$0x3FDB];
	s0 =	simm.s32 @p2 $0x1  }
0x17: {  	s4 =	simm.s32 $0x1BF5;
	[smem:$0x3FB5] =	sst s0  }
0x18: {  	s0 =	sld [smem:$0x3F98];
	_ =	swait.ge [sflag:s4], $0x0  }
0x19: {  	s7 =	sld [smem:$0x3F99]  }
0x1a: {  	s8 =	sadd.s32 $0xFFFFE003, lr  }
0x1b: {  	s9 =	sadd.s32 $0xFFFFFEF7, lr;
	s5 =	simm.s32 $0xFFFFFFFF;
	p2 =	slt.u32 s8, $0xFFFFF086  }
0x1c: {  	p1 =	slt.u32 s9, $0xF7A;
	s5 =	simm.s32 @!p2 $0x0  }
0x1d: {  	s5 =	simm.s32 @p1 $0x1;
	p0 =	seq.s32 s7, s2  }
0x1e: {  	s7 =	smul.u32 @!p0 $0xF7A, s2;
	p2 =	seq.s32 @!p0 s5, $0x0  }
0x1f: {  	s9 =	smul.u32 $0xF7A, s1;
	s8 =	simm.s32 @!p0 $0x1BF5;
	p2 =	por !p2, p0  }
0x20: {  	[sflag:s8] =	ssyncset.s32 @!p0 $0xFFFFF086;
	s6 =	sadd.s32 @!p0 s3, s7;
	s7 =	simm.s32 @!p0 $0x108  }
0x21: {  	s3 =	sadd.s32 s3, s9;
	s6 =	sadd.s32 @!p0 $0x88, s6;
	s7 =	simm.s32 @p2 $0x1082  }
0x22: {  	[simem:s7], [sflag:s8] =	dma.local @!p0 [hbm:s6], $0xF7A  }
0x23: {  	s9 =	sor.u32 $0xD0000000, s2;
	s6 =	simm.s32 $0x108;
	_ =	swait.ge @!p0 [sflag:s8], $0x0  }
0x24: {  	s3 =	sadd.s32 $0x88, s3;
	s6 =	simm.s32 @!p1 $0x1082;
	[sflag:s4] =	ssyncset.s32 $0xFFFFF086  }
0x25: {  	[simem:s6], [sflag:s4] =	dma.local [hbm:s3], $0xF7A  }
0x26: {  	[smem:$0x3F99] =	sst s1;
	(tag) =	ssettag s2;
	_ =	strace s9  }
0x27: {  	s1 =	sld [smem:$0x3FA9]  }
0x28: {  	s2 =	sld [smem:$0x3FAA]  }
0x29: {  	s4 =	sld [smem:$0x3FAC]  }
0x2a: {  	p0 =	seq.s32 s5, $0x0;
	s5 =	sld [smem:$0x3FAD]  }
0x2b: {  	s6 =	sld [smem:$0x3FAE]  }
0x2c: {  	s7 =	sld [smem:$0x3FAF]  }
0x2d: {  	s3 =	simm.s32 $0x108;
	s8 =	sld [smem:$0x3FB0]  }
0x2e: {  	s3 =	simm.s32 @!p0 $0x1082;
	s9 =	sld [smem:$0x3FB1]  }
0x2f: {  	lr =	sadd.s32 s0, s3;
	s0 =	sld [smem:$0x3FA8]  }
0x30: {  	s3 =	sld [smem:$0x3FAB]  }
0x31: {  	[smem:$0x3FB4] =	sst s10  }
0x32: {  	s10 =	sld [smem:$0x3FB2];
	_ =	sdelay $0x3  }
0x33: {  	p0 =	seq.s32 s10, $0x1;
	s10 =	sld [smem:$0x3FB4];
	_ =	sdelay $0x3  }
0x34: {  	[smem:$0x3FB4] =	sst s10  }
0x35: {  	s10 =	sld [smem:$0x3FB3];
	_ =	sdelay $0x3  }
0x36: {  	p1 =	seq.s32 s10, $0x1;
	s10 =	sld [smem:$0x3FB4];
	_ =	sdelay $0x3  }
0x37: {  	[smem:$0x3FB4] =	sst s10  }
0x38: {  	s10 =	sld [smem:$0x3FB5]  }
0x39: {  	_ = 	snop;
	(pc) =	sbr.ind lr, $3  }
0x3a: {  	_ = 	snop  }
0x3b: {  	_ = 	snop  }
0x3c: {  	p2 =	seq.s32 s10, $0x1;
	s10 =	sld [smem:$0x3FB4]  }
0x3d: {  	_ =	shalt  }
0x3e: {  	_ =	shalt  }
0x3f: {  	_ =	shalt  }
0x40: {  	_ =	shalt  }
0x41: {  	_ =	shalt  }
0x42: {  	_ =	shalt  }
0x43: {  	_ =	shalt  }
0x44: {  	_ =	shalt  }
0x45: {  	_ =	shalt  }
0x46: {  	_ =	shalt  }
0x47: {  	_ =	shalt  }
0x48: {  	_ =	shalt  }
0x49: {  	_ =	shalt  }
0x4a: {  	_ =	shalt  }
0x4b: {  	_ =	shalt  }
0x4c: {  	_ =	shalt  }
0x4d: {  	_ =	shalt  }
0x4e: {  	_ =	shalt  }
0x4f: {  	_ =	shalt  }
0x50: {  	_ =	shalt  }
0x51: {  	_ =	shalt  }
0x52: {  	_ =	shalt  }
0x53: {  	_ =	shalt  }
0x54: {  	_ =	shalt  }
0x55: {  	_ =	shalt  }
0x56: {  	_ =	shalt  }
0x57: {  	_ =	shalt  }
0x58: {  	_ =	shalt  }
0x59: {  	_ =	shalt  }
0x5a: {  	_ =	shalt  }
0x5b: {  	_ =	shalt  }
0x5c: {  	_ =	shalt  }
0x5d: {  	_ =	shalt  }
0x5e: {  	_ =	shalt  }
0x5f: {  	_ =	shalt  }
0x60: {  	_ =	shalt  }
0x61: {  	_ =	shalt  }
0x62: {  	_ =	shalt  }
0x63: {  	_ =	shalt  }
0x64: {  	_ =	shalt  }
0x65: {  	_ =	shalt  }
0x66: {  	_ =	shalt  }
0x67: {  	_ =	shalt  }
0x68: {  	_ =	shalt  }
0x69: {  	_ =	shalt  }
0x6a: {  	_ =	shalt  }
0x6b: {  	_ =	shalt  }
0x6c: {  	_ =	shalt  }
0x6d: {  	_ =	shalt  }
0x6e: {  	_ =	shalt  }
0x6f: {  	_ =	shalt  }
0x70: {  	_ =	shalt  }
0x71: {  	_ =	shalt  }
0x72: {  	_ =	shalt  }
0x73: {  	_ =	shalt  }
0x74: {  	_ =	shalt  }
0x75: {  	_ =	shalt  }
0x76: {  	_ =	shalt  }
0x77: {  	_ =	shalt  }
0x78: {  	_ =	shalt  }
0x79: {  	_ =	shalt  }
0x7a: {  	_ =	shalt  }
0x7b: {  	_ =	shalt  }
0x7c: {  	_ =	shalt  }
0x7d: {  	_ =	shalt  }
0x7e: {  	_ =	shalt  }
0x7f: {  	_ =	shalt  }
0x80: {  	_ =	shalt  }
0x81: {  	_ =	shalt  }
0x82: {  	_ =	shalt  }
0x83: {  	_ =	shalt  }
0x84: {  	_ =	shalt  }
0x85: {  	_ =	shalt  }
0x86: {  	_ =	shalt  }
0x87: {  	_ =	shalt  }
.Lfunc_end0:
.L_simem_size_0:
called_computation_lowered:
.L_overlay_start_0:
0x88: {  	s2 =	sld [smem:$0x3FD9]  }
0x89: {  	s3 =	sld [smem:$0x3FFE];
	_ =	sdelay $0x1  }
0x8a: {  	s1 =	srdreg.scid  }
0x8b: {  	s0 =	sand.u32 $0x1, s1  }
0x8c: {  	s17 =	sshll.u32 s0, $0xA;
	s2 =	sadd.s32 s3, s2  }
0x8d: {  	s2 =	sadd.s32 s2, s17  }
0x8e: {  	[smem:$0x3FC0] =	sst s2  }
0x8f: {  	_ = 	snop  }
0x90: {  	s2 =	sld [smem:$0x3FC9]  }
0x91: {  	s18 =	sld [smem:$0x3FC8]  }
0x92: {  	s4 =	sld [smem:$0x3FC7]  }
0x93: {  	s5 =	sld [smem:$0x3FC6]  }
0x94: {  	s6 =	sld [smem:$0x3FC5]  }
0x95: {  	s7 =	sld [smem:$0x3FC4]  }
0x96: {  	s8 =	sld [smem:$0x3FD0];
	(tm) =	ssettm $0x1  }
0x97: {  	s9 =	sld [smem:$0x3FFB];
	_ =	sdelay $0x3  }
0x98: {  	_ =	strace s9  }
0x99: {  	s9 =	sld [smem:$0x3FFC];
	_ =	sdelay $0x3  }
0x9a: {  	_ =	strace s9  }
0x9b: {  	s9 =	sld [smem:$0x3FFD];
	_ =	sdelay $0x3  }
0x9c: {  	_ =	strace s9  }
0x9d: {  	_ =	strace $0x8FFFFFFF  }
0x9e: {  	s19 =	sld [smem:$0x3FDB];
	_ =	sdelay $0x1  }
0x9f: {  	s10 =	simm.s32 $_scs_section_size  }
0xa0: {  	s11 =	simm.s32 $_size__tile_overlayer_lowered;
	s12 =	simm.s32 $_tile_overlayer_lowered  }
0xa1: {  	s22 =	simm.s32 $0x1BFF;
	s21 =	sshll.u32 s12, $0x1;
	s9 =	sadd.s32 s10, s19  }
0xa2: {  	s13 =	simm.s32 $0x0;
	s20 =	sshll.u32 s11, $0x1;
	s11 =	sadd.s32 s21, s9  }
0xa3: {  	[timem:s13], [sflag:s22] =	dma.local [hbm:s11], s20  }
0xa4: {  	_ =	swait.ge [sflag:s22], s20  }
0xa5: {  	s10 =	ssub.s32 $0x0, s20;
	[sflag:s22] =	ssyncset.done $0x0  }
0xa6: {  	[sflag:s22] =	ssyncadd.s32 s10;
	_ =	sdelay $0x1  }
0xa7: {  	s23 =	simm.s32 $0x1B8B  }
0xa8: {  	_ =	swait.ge [sflag:s23], $0x1  }
0xa9: {  	[sflag:s23] =	ssyncset.done $0x0  }
0xaa: {  	s25 =	simm.s32 $0x1B8E;
	s24 =	sld [smem:$0x3FFE];
	[sflag:s23] =	ssyncadd.s32 $0xFFFFFFFF  }
0xab: {  	s26 =	simm.s32 $execute0_lowered;
	[smem:$0x3FD2] =	sst s25  }
0xac: {  	s11 =	sshll.u32 s26, $0x1;
	_ =	strace $0x80000046;
	[dreg:$0x1] =	wrdreg $0xFFFFFFFF  }
0xad: {  	s28 =	simm.s32 $_size_execute0_lowered;
	s9 =	sadd.s32 s9, s11;
	[dreg:$0x0] =	wrdreg $0x0  }
0xae: {  	s11 =	sshll.u32 s28, $0x1;
	[dreg:$0x2] =	wrdreg s9  }
0xaf: {  	[dreg:$0x3] =	wrdreg s11  }
0xb0: {  	[dreg:$0x4] =	wrdreg $0xC0  }
0xb1: {  	_ =	task [dreg:s13], $0x5FFFF  }
0xb2: {  	[dreg:$0x1] =	wrdreg $0xFFFFFFFF  }
0xb3: {  	[dreg:$0x0] =	wrdreg $0x60  }
0xb4: {  	[dreg:$0x2] =	wrdreg s2  }
0xb5: {  	[dreg:$0x3] =	wrdreg s18  }
0xb6: {  	[dreg:$0x4] =	wrdreg s4  }
0xb7: {  	[dreg:$0x5] =	wrdreg s5  }
0xb8: {  	[dreg:$0x6] =	wrdreg s6  }
0xb9: {  	[dreg:$0x7] =	wrdreg s7  }
0xba: {  	[dreg:$0x8] =	wrdreg s24  }
0xbb: {  	[dreg:$0x9] =	wrdreg s8  }
0xbc: {  	[dreg:$0xa] =	wrdreg $0x9  }
0xbd: {  	_ =	task.clear_ibuf [dreg:s13], $0xBFFFF;
	_ =	strace $0x90000046  }
0xbe: {  	s29 =	simm.s32 $0x9;
	_ =	strace $0x80000048  }
0xbf: {  	_ =	swait.ge [sflag:s29], $0x1  }
0xc0: {  	[sflag:s29] =	ssyncadd.s32 $0xFFFFFFFF  }
0xc1: {  	_ =	strace $0x90000048  }
0xc2: {  	_ =	sfence  }
0xc3: {  	s30 =	sld [smem:$0x0];
	_ =	sdelay $0x2  }
0xc4: {  	s31 =	sshll.u32 s1, $0xD;
	s1 =	sshrl.u32 s1, $0x2  }
0xc5: {  	s3 =	sand.u32 $0x4000, s31;
	s1 =	sadd.s32 s1, s30  }
0xc6: {  	s0 =	sor.u32 s3, s0;
	s1 =	sshll.u32 s1, $0x11  }
0xc7: {  	s0 =	sor.u32 s1, s0  }
0xc8: {  	s0 =	sadd.s32 $0x8F2B, s0  }
0xc9: {  	[sflag:s0] =	ssyncadd.remote.s32 $0x1  }
0xca: {  	_ =	sfence.sel $0xFFFF  }
0xcb: {  	[dreg:$0x0] =	wrdreg $0xFFFFFFFF;
	(pc) =	sbr.abs _section_cstart, $3  }
0xcc: {  	[dreg:$0x1] =	wrdreg $0xFFFFFFFF  }
0xcd: {  	_ =	task.clear_ibuf [dreg:s13], $0x2FFFF;
	_ =	strace $0x9FFFFFFF  }
0xce: {  	(tm) =	ssettm $0x7FFFFFFF  }
0xcf: {  	_ =	shalt  }
tec
execute0_lowered:
.L_overlay_start_1:
0x0: {  	(tag) =	ssettag $0x1  }
0x1: {  	s0 =	rddreg [dreg:$0x0]  }
0x2: {  	s1 =	rddreg [dreg:$0x1]  }
0x3: {  	s7 =	rddreg [dreg:$0x2]  }
0x4: {  	s8 =	rddreg [dreg:$0x3]  }
0x5: {  	s9 =	rddreg [dreg:$0x4]  }
0x6: {  	s10 =	rddreg [dreg:$0x5]  }
0x7: {  	s4 =	rddreg [dreg:$0x6]  }
0x8: {  	s11 =	rddreg [dreg:$0x7];
	s2 =	simm.s32 $0x0  }
0x9: {  	s3 =	srdreg.scid;
	s5 =	stileid.u32;
	s15 =	simm.s32 $0x400  }
0xa: {  	s16 =	simm.s32 $0x600;
	s17 =	simm.s32 $0x800;
	s18 =	simm.s32 $0xA00  }
0xb: {  	s19 =	simm.s32 $0x80;
	s20 =	simm.s32 $0xC00;
	s21 =	simm.s32 $0x2C00  }
0xc: {  	s22 =	simm.s32 $0x4C00;
	s23 =	simm.s32 $0x6C00;
	s24 =	simm.s32 $0x8C00  }
0xd: {  	s25 =	simm.s32 $0xAC00;
	s28 =	simm.s32 $0xCC00;
	s29 =	simm.s32 $0x0  }
0xe: {  	s31 =	simm.s32 $0x0;
	[smem:$0x7FF] =	sst s2;
	s3 =	sand.u32 $0x1, s3  }
0xf: {  	s5 =	sshll.u32 s5, $0x1;
	_ =	strace $0x80000047;
	s6 =	ssub.s32 $0x2, s3  }
0x10: {  	s12 =	sor.u32 s3, s5;
	s3 =	sadd.s32 $0xF42A00, s4;
	s4 =	sadd.s32 $0x600, s4  }
0x11: {  	s26 =	sshrl.u32 s6, $0x1;
	s13 =	sshll.u32 s12, $0x6;
	s30 =	sshll.u32 s12, $0x1  }
0x12: {  	s14 =	ssub.s32 s6, s26;
	s5 =	sadd.s32 s0, s13;
	s6 =	sadd.s32 s1, s13  }
0x13: {  	s7 =	sadd.s32 s7, s13;
	s8 =	sadd.s32 s8, s13;
	s9 =	sadd.s32 s9, s13  }
0x14: {  	v0 =	vlaneseq.u32;
	s10 =	sadd.s32 s10, s13;
	s11 =	sadd.s32 s11, s30;
	s13 =	simm.s32 $0x2  }
0x15: {  	v0 =	vmul.u32 $0x40, v0;
	s26 =	simm.s32 $0x1;
	s12 =	smax.u32 s14, $0x1;
	s14 =	simm.s32 $0x200  }
.LBB2_1:
0x16: {  	[tilespmem:s2], [sflag:$0x2] =	stream.linear.gather [hbm4b:s5+s2], $0x200, $0x38;
	[tilespmem:$0xCC10] =	vst v63  }
0x17: {  	_ =	swait.ge [sflag:s13], $0x200  }
0x18: {  	[sflag:s13] =	ssyncset.done $0x0  }
0x19: {  	[sflag:s13] =	ssyncadd.s32 $0xFFFFFE00  }
0x1a: {  	[tilespmem:s14], [sflag:$0x2] =	stream.linear.gather [hbm4b:s6+s2], $0x200, $0x38;
	[tilespmem:$0xCC10] =	vst v63  }
0x1b: {  	_ =	swait.ge [sflag:s13], $0x200  }
0x1c: {  	[sflag:s13] =	ssyncset.done $0x0  }
0x1d: {  	[sflag:s13] =	ssyncadd.s32 $0xFFFFFE00  }
0x1e: {  	[tilespmem:s15], [sflag:$0x2] =	stream.linear.gather [hbm4b:s7+s2], $0x200, $0x38;
	[tilespmem:$0xCC10] =	vst v63  }
0x1f: {  	_ =	swait.ge [sflag:s13], $0x200  }
0x20: {  	[sflag:s13] =	ssyncset.done $0x0  }
0x21: {  	[sflag:s13] =	ssyncadd.s32 $0xFFFFFE00  }
0x22: {  	[tilespmem:s16], [sflag:$0x2] =	stream.linear.gather [hbm4b:s8+s2], $0x200, $0x38;
	[tilespmem:$0xCC10] =	vst v63  }
0x23: {  	_ =	swait.ge [sflag:s13], $0x200  }
0x24: {  	[sflag:s13] =	ssyncset.done $0x0  }
0x25: {  	[sflag:s13] =	ssyncadd.s32 $0xFFFFFE00  }
0x26: {  	[tilespmem:s17], [sflag:$0x2] =	stream.linear.gather [hbm4b:s9+s2], $0x200, $0x38;
	[tilespmem:$0xCC10] =	vst v63  }
0x27: {  	_ =	swait.ge [sflag:s13], $0x200  }
0x28: {  	[sflag:s13] =	ssyncset.done $0x0  }
0x29: {  	[sflag:s13] =	ssyncadd.s32 $0xFFFFFE00  }
0x2a: {  	[tilespmem:s18], [sflag:$0x2] =	stream.linear.gather [hbm4b:s10+s2], $0x200, $0x38;
	[tilespmem:$0xCC10] =	vst v63  }
0x2b: {  	_ =	swait.ge [sflag:s13], $0x200  }
0x2c: {  	[sflag:s13] =	ssyncset.done $0x0  }
0x2d: {  	v1 =	vimm.f32 $0.0e+00;
	s30 =	simm.s32 $0x0;
	[sflag:s13] =	ssyncadd.s32 $0xFFFFFE00  }
.LBB2_2:
0x2e: {  	s0 =	sshll.u32 s30, $0x7  }
0x2f: {  	[tilespmem:s20], [sflag:$0x1] =	stream.indirect.gather [hbm4b:s3+s19], $0x40, s0, s19, $0xb8;
	[tilespmem:$0xCC10] =	vst v63  }
0x30: {  	s1 =	sadd.s32 $0x200, s0  }
0x31: {  	[tilespmem:s21], [sflag:$0x1] =	stream.indirect.gather [hbm4b:s3+s19], $0x40, s1, s19, $0xb8;
	[tilespmem:$0xCC10] =	vst v63  }
0x32: {  	s1 =	sadd.s32 $0x400, s0  }
0x33: {  	[tilespmem:s22], [sflag:$0x1] =	stream.indirect.gather [hbm4b:s4+s19], $0x40, s1, s19, $0xb8;
	[tilespmem:$0xCC10] =	vst v63  }
0x34: {  	s1 =	sadd.s32 $0x600, s0  }
0x35: {  	[tilespmem:s23], [sflag:$0x1] =	stream.indirect.gather [hbm4b:s3+s19], $0x40, s1, s19, $0xb8;
	[tilespmem:$0xCC10] =	vst v63  }
0x36: {  	s1 =	sadd.s32 $0x800, s0  }
0x37: {  	[tilespmem:s24], [sflag:$0x1] =	stream.indirect.gather [hbm4b:s3+s19], $0x40, s1, s19, $0xb8;
	[tilespmem:$0xCC10] =	vst v63  }
0x38: {  	s0 =	sadd.s32 $0xA00, s0  }
0x39: {  	[tilespmem:s25], [sflag:$0x1] =	stream.indirect.gather [hbm4b:s4+s19], $0x40, s0, s19, $0xb8;
	[tilespmem:$0xCC10] =	vst v63  }
0x3a: {  	_ =	swait.ge [sflag:s26], $0x2000  }
0x3b: {  	[sflag:s26] =	ssyncset.done $0x0  }
0x3c: {  	[sflag:s26] =	ssyncadd.s32 $0xFFFFE000  }
0x3d: {  	_ =	swait.ge [sflag:s26], $0x2000  }
0x3e: {  	[sflag:s26] =	ssyncset.done $0x0  }
0x3f: {  	[sflag:s26] =	ssyncadd.s32 $0xFFFFE000  }
0x40: {  	_ =	swait.ge [sflag:s26], $0x2000  }
0x41: {  	[sflag:s26] =	ssyncset.done $0x0  }
0x42: {  	[sflag:s26] =	ssyncadd.s32 $0xFFFFE000  }
0x43: {  	_ =	swait.ge [sflag:s26], $0x2000  }
0x44: {  	[sflag:s26] =	ssyncset.done $0x0  }
0x45: {  	[sflag:s26] =	ssyncadd.s32 $0xFFFFE000  }
0x46: {  	_ =	swait.ge [sflag:s26], $0x2000  }
0x47: {  	[sflag:s26] =	ssyncset.done $0x0  }
0x48: {  	[sflag:s26] =	ssyncadd.s32 $0xFFFFE000  }
0x49: {  	_ =	swait.ge [sflag:s26], $0x2000  }
0x4a: {  	[sflag:s26] =	ssyncset.done $0x0  }
0x4b: {  	s0 =	simm.s32 $0x0;
	[sflag:s26] =	ssyncadd.s32 $0xFFFFE000  }
.LBB2_3:
0x4c: {  	s1 =	sshll.u32 s0, $0x4;
	v2 =	vmov s31  }
0x4d: {  	v3 =	vmov s1;
	v2 =	vshrl.u32 v2, $0x3  }
0x4e: {  	v3 =	vshll.u32 v3, $0x6;
	v2 =	vshll.u32 v2, $0x3  }
0x4f: {  	v7 =	vor.u32 v0, v3;
	v13 =	vbroadcast v2, $0x0  }
0x50: {  	v9 =	vor.u32 $0x7, v7  }
0x51: {  	v10 =	vor.u32 $0x6, v7;
	v2 =	vadd.s32 v9, v13  }
0x52: {  	v3 =	vadd.s32 v10, v13;
	_ =	sdelay $0x3  }
0x53: {  	v11 =	vor.u32 $0x5, v7;
	v5 =	vld.idx.msk [tilespmem:v2+s21+$0x0], $0xffff  }
0x54: {  	v4 =	vadd.s32 v11, v13;
	v6 =	vld.idx.msk [tilespmem:v3+s21+$0x0], $0xffff  }
0x55: {  	v22 =	vld.idx.msk [tilespmem:v2+s20+$0x0], $0xffff  }
0x56: {  	v24 =	vld.idx.msk [tilespmem:v2+s22+$0x0], $0xffff  }
0x57: {  	v23 =	vld.idx.msk [tilespmem:v2+s23+$0x0], $0xffff  }
0x58: {  	v12 =	vor.u32 $0x4, v7;
	v25 =	vld.idx.msk [tilespmem:v2+s25+$0x0], $0xffff  }
0x59: {  	v8 =	vadd.s32 v12, v13;
	v16 =	vld.idx.msk [tilespmem:v4+s21+$0x0], $0xffff  }
0x5a: {  	v27 =	vld.idx.msk [tilespmem:v3+s20+$0x0], $0xffff  }
0x5b: {  	v30 =	vld.idx.msk [tilespmem:v3+s22+$0x0], $0xffff  }
0x5c: {  	v28 =	vld.idx.msk [tilespmem:v3+s23+$0x0], $0xffff  }
0x5d: {  	v14 =	vor.u32 $0x3, v7;
	v31 =	vld.idx.msk [tilespmem:v3+s25+$0x0], $0xffff  }
0x5e: {  	v18 =	vadd.s32 v14, v13;
	v19 =	vld.idx.msk [tilespmem:v8+s21+$0x0], $0xffff  }
0x5f: {  	v32 =	vld.idx.msk [tilespmem:v4+s20+$0x0], $0xffff  }
0x60: {  	v34 =	vld.idx.msk [tilespmem:v4+s22+$0x0], $0xffff  }
0x61: {  	v33 =	vld.idx.msk [tilespmem:v4+s23+$0x0], $0xffff  }
0x62: {  	v35 =	vld.idx.msk [tilespmem:v4+s25+$0x0], $0xffff  }
0x63: {  	v26 =	vld.idx.msk [tilespmem:v18+s21+$0x0], $0xffff  }
0x64: {  	v38 =	vld.idx.msk [tilespmem:v8+s20+$0x0], $0xffff  }
0x65: {  	v39 =	vld.idx.msk [tilespmem:v8+s22+$0x0], $0xffff  }
0x66: {  	v15 =	vor.u32 $0x2, v7;
	v37 =	vld.idx.msk [tilespmem:v8+s23+$0x0], $0xffff  }
0x67: {  	v29 =	vadd.s32 v15, v13;
	v40 =	vld.idx.msk [tilespmem:v8+s25+$0x0], $0xffff  }
0x68: {  	v42 =	vld.idx.msk [tilespmem:v18+s20+$0x0], $0xffff  }
0x69: {  	v44 =	vld.idx.msk [tilespmem:v18+s22+$0x0], $0xffff  }
0x6a: {  	v17 =	vor.u32 $0x1, v7;
	v41 =	vld.idx.msk [tilespmem:v18+s23+$0x0], $0xffff  }
0x6b: {  	v36 =	vadd.s32 v17, v13;
	v43 =	vld.idx.msk [tilespmem:v18+s25+$0x0], $0xffff  }
0x6c: {  	v45 =	vld.idx.msk [tilespmem:v29+s20+$0x0], $0xffff  }
0x6d: {  	v47 =	vld.idx.msk [tilespmem:v29+s22+$0x0], $0xffff  }
0x6e: {  	v20 =	vimm.f32 $0.0e+00;
	v21 =	vimm.f32 $0.0e+00;
	s1 =	simm.s32 $0x8;
	v46 =	vld.idx.msk [tilespmem:v29+s23+$0x0], $0xffff  }
.LBB2_4:
0x6f: {  	p0 =	sne.s32 s1, $0x38;
	v48 =	vor.u32 v7, v13;
	v49 =	vld.idx.msk [tilespmem:v29+s25+$0x0], $0xffff  }
0x70: {  	v50 =	vld.idx.msk [tilespmem:v36+s20+$0x0], $0xffff  }
0x71: {  	v51 =	vld.idx.msk [tilespmem:v36+s22+$0x0], $0xffff  }
0x72: {  	v52 =	vld.idx.msk [tilespmem:v36+s23+$0x0], $0xffff  }
0x73: {  	v13 =	vmov s1;
	v53 =	vld.idx.msk [tilespmem:v36+s25+$0x0], $0xffff  }
0x74: {  	v13 =	vshrl.u32 v13, $0x3;
	v54 =	vld.idx.msk [tilespmem:v48+s20+$0x0], $0xffff  }
0x75: {  	v22 =	vadd.f32 v24, v22;
	v13 =	vshll.u32 v13, $0x3;
	v55 =	vld.idx.msk [tilespmem:v48+s22+$0x0], $0xffff  }
0x76: {  	v27 =	vadd.f32 v30, v27;
	v56 =	vadd.f32 v25, v23;
	v13 =	vbroadcast v13, $0x0;
	v24 =	vld.idx.msk [tilespmem:v48+s23+$0x0], $0xffff  }
0x77: {  	v25 =	vadd.f32 v34, v32;
	v31 =	vadd.f32 v31, v28;
	v23 =	vld.idx.msk [tilespmem:v48+s25+$0x0], $0xffff  }
0x78: {  	v32 =	vadd.f32 v39, v38;
	v33 =	vadd.f32 v35, v33;
	v28 =	vadd.s32 v9, v13;
	v30 =	vld.idx.msk [tilespmem:v29+s21+$0x0], $0xffff  }
0x79: {  	v35 =	vadd.f32 v44, v42;
	v37 =	vadd.f32 v40, v37;
	v34 =	vld.idx.msk [tilespmem:v48+s21+$0x0], $0xffff  }
0x7a: {  	v40 =	vadd.f32 v43, v41;
	v39 =	vadd.f32 v47, v45;
	v38 =	vld.idx.msk [tilespmem:v48+s24+$0x0], $0xffff  }
0x7b: {  	v43 =	vadd.f32 v49, v46;
	v42 =	vadd.f32 v51, v50;
	v41 =	vld.idx.msk [tilespmem:v36+s21+$0x0], $0xffff  }
0x7c: {  	v44 =	vadd.s32 v10, v13;
	v46 =	vadd.f32 v53, v52;
	v45 =	vadd.f32 v55, v54;
	v36 =	vld.idx.msk [tilespmem:v36+s24+$0x0], $0xffff  }
0x7d: {  	v47 =	vsub.f32 v22, v5;
	v23 =	vadd.f32 v23, v24;
	v5 =	vld.idx.msk [tilespmem:v28+s21+$0x0], $0xffff  }
0x7e: {  	v48 =	vsub.f32 v27, v6;
	v22 =	vld.idx.msk [tilespmem:v29+s24+$0x0], $0xffff;
	v29 =	vsub.f32 v25, v16  }
0x7f: {  	v19 =	vsub.f32 v32, v19;
	v16 =	vsub.f32 v35, v26;
	v26 =	vld.idx.msk [tilespmem:v2+s24+$0x0], $0xffff;
	v2 =	vmov v28  }
0x80: {  	v24 =	vsub.f32 v45, v34;
	v23 =	vsub.f32 v23, v38;
	v18 =	vld.idx.msk [tilespmem:v18+s24+$0x0], $0xffff  }
0x81: {  	v27 =	vsub.f32 v39, v30;
	v25 =	vsub.f32 v42, v41;
	v6 =	vld.idx.msk [tilespmem:v44+s21+$0x0], $0xffff  }
0x82: {  	v24 =	vand.u32 $0x7FFFFFFF, v24;
	v23 =	vand.u32 $0x7FFFFFFF, v23;
	v28 =	vsub.f32 v46, v36;
	v8 =	vld.idx.msk [tilespmem:v8+s24+$0x0], $0xffff  }
0x83: {  	v30 =	vadd.s32 v11, v13;
	v20 =	vadd.f32 v24, v20;
	v21 =	vadd.f32 v23, v21;
	v32 =	vld.idx.msk [tilespmem:v3+s24+$0x0], $0xffff  }
0x84: {  	v23 =	vand.u32 $0x7FFFFFFF, v25;
	v24 =	vand.u32 $0x7FFFFFFF, v28;
	v25 =	vsub.f32 v43, v22;
	v3 =	vmovc v44;
	v28 =	vld.idx.msk [tilespmem:v4+s24+$0x0], $0xffff;
	v4 =	vmovc v30  }
0x85: {  	v20 =	vadd.f32 v23, v20;
	v21 =	vadd.f32 v24, v21;
	v22 =	vld.idx.msk [tilespmem:v2+s20+$0x0], $0xffff  }
0x86: {  	v27 =	vand.u32 $0x7FFFFFFF, v27;
	v25 =	vand.u32 $0x7FFFFFFF, v25;
	v18 =	vsub.f32 v40, v18;
	v24 =	vld.idx.msk [tilespmem:v2+s22+$0x0], $0xffff  }
0x87: {  	v20 =	vadd.f32 v27, v20;
	v21 =	vadd.f32 v25, v21;
	v23 =	vld.idx.msk [tilespmem:v2+s23+$0x0], $0xffff  }
0x88: {  	v27 =	vand.u32 $0x7FFFFFFF, v16;
	v18 =	vand.u32 $0x7FFFFFFF, v18;
	v30 =	vsub.f32 v37, v8;
	v25 =	vld.idx.msk [tilespmem:v2+s25+$0x0], $0xffff  }
0x89: {  	v8 =	vadd.s32 v12, v13;
	v20 =	vadd.f32 v27, v20;
	v18 =	vadd.f32 v18, v21;
	v16 =	vld.idx.msk [tilespmem:v4+s21+$0x0], $0xffff  }
0x8a: {  	v19 =	vand.u32 $0x7FFFFFFF, v19;
	v21 =	vand.u32 $0x7FFFFFFF, v30;
	v33 =	vsub.f32 v33, v28;
	v27 =	vld.idx.msk [tilespmem:v44+s20+$0x0], $0xffff  }
0x8b: {  	v19 =	vadd.f32 v19, v20;
	v20 =	vadd.f32 v21, v18;
	v30 =	vld.idx.msk [tilespmem:v44+s22+$0x0], $0xffff  }
0x8c: {  	v32 =	vsub.f32 v31, v32;
	v21 =	vand.u32 $0x7FFFFFFF, v29;
	v29 =	vand.u32 $0x7FFFFFFF, v33;
	v28 =	vld.idx.msk [tilespmem:v44+s23+$0x0], $0xffff  }
0x8d: {  	v18 =	vadd.s32 v14, v13;
	v21 =	vadd.f32 v21, v19;
	v20 =	vadd.f32 v29, v20;
	v31 =	vld.idx.msk [tilespmem:v44+s25+$0x0], $0xffff  }
0x8e: {  	v26 =	vsub.f32 v56, v26;
	v33 =	vand.u32 $0x7FFFFFFF, v32;
	v29 =	vand.u32 $0x7FFFFFFF, v48;
	v19 =	vld.idx.msk [tilespmem:v8+s21+$0x0], $0xffff  }
0x8f: {  	v21 =	vadd.f32 v29, v21;
	v29 =	vadd.f32 v33, v20;
	v32 =	vld.idx.msk [tilespmem:v4+s20+$0x0], $0xffff  }
0x90: {  	v26 =	vand.u32 $0x7FFFFFFF, v26;
	v20 =	vand.u32 $0x7FFFFFFF, v47;
	v34 =	vld.idx.msk [tilespmem:v4+s22+$0x0], $0xffff  }
0x91: {  	v20 =	vadd.f32 v20, v21;
	v21 =	vadd.f32 v26, v29;
	v33 =	vld.idx.msk [tilespmem:v4+s23+$0x0], $0xffff  }
0x92: {  	v35 =	vld.idx.msk [tilespmem:v4+s25+$0x0], $0xffff  }
0x93: {  	v26 =	vld.idx.msk [tilespmem:v18+s21+$0x0], $0xffff  }
0x94: {  	v38 =	vld.idx.msk [tilespmem:v8+s20+$0x0], $0xffff  }
0x95: {  	v39 =	vld.idx.msk [tilespmem:v8+s22+$0x0], $0xffff  }
0x96: {  	v37 =	vld.idx.msk [tilespmem:v8+s23+$0x0], $0xffff  }
0x97: {  	v29 =	vadd.s32 v15, v13;
	v40 =	vld.idx.msk [tilespmem:v8+s25+$0x0], $0xffff  }
0x98: {  	v42 =	vld.idx.msk [tilespmem:v18+s20+$0x0], $0xffff  }
0x99: {  	v44 =	vld.idx.msk [tilespmem:v18+s22+$0x0], $0xffff  }
.Ltmp0:
0x9a: {  	v41 =	vld.idx.msk [tilespmem:v18+s23+$0x0], $0xffff;
	(pc) =	sbr.rel @p0 .LBB2_4-.Ltmp0, $4  }
0x9b: {  	v36 =	vadd.s32 v17, v13;
	v43 =	vld.idx.msk [tilespmem:v18+s25+$0x0], $0xffff  }
0x9c: {  	v45 =	vld.idx.msk [tilespmem:v29+s20+$0x0], $0xffff  }
0x9d: {  	v47 =	vld.idx.msk [tilespmem:v29+s22+$0x0], $0xffff  }
0x9e: {  	s1 =	sadd.s32 $0x8, s1;
	v46 =	vld.idx.msk [tilespmem:v29+s23+$0x0], $0xffff  }
0x9f: {  	_ =	sdelay $0x3  }
0xa0: {  	v9 =	vld.idx.msk [tilespmem:v29+s25+$0x0], $0xffff  }
0xa1: {  	v7 =	vor.u32 v7, v13;
	v10 =	vld.idx.msk [tilespmem:v36+s20+$0x0], $0xffff  }
0xa2: {  	v11 =	vld.idx.msk [tilespmem:v36+s22+$0x0], $0xffff  }
0xa3: {  	v12 =	vld.idx.msk [tilespmem:v36+s23+$0x0], $0xffff  }
0xa4: {  	v56 =	vld.idx.msk [tilespmem:v36+s25+$0x0], $0xffff  }
0xa5: {  	v15 =	vadd.f32 v24, v22;
	v62 =	vld.idx.msk [tilespmem:v29+s21+$0x0], $0xffff  }
0xa6: {  	v57 =	vadd.f32 v30, v27;
	v23 =	vadd.f32 v25, v23;
	v14 =	vld.idx.msk [tilespmem:v7+s20+$0x0], $0xffff  }
0xa7: {  	v59 =	vadd.f32 v34, v32;
	v27 =	vadd.f32 v31, v28;
	v17 =	vld.idx.msk [tilespmem:v7+s22+$0x0], $0xffff  }
0xa8: {  	v61 =	vadd.f32 v39, v38;
	v31 =	vadd.f32 v35, v33;
	v58 =	vld.idx.msk [tilespmem:v7+s23+$0x0], $0xffff  }
0xa9: {  	v63 =	vadd.f32 v44, v42;
	v42 =	vadd.f32 v40, v37;
	v60 =	vld.idx.msk [tilespmem:v7+s25+$0x0], $0xffff  }
0xaa: {  	v48 =	vadd.f32 v43, v41;
	v5 =	vsub.f32 v15, v5;
	v44 =	vld.idx.msk [tilespmem:v7+s21+$0x0], $0xffff  }
0xab: {  	v52 =	vsub.f32 v59, v16;
	v6 =	vsub.f32 v57, v6;
	v7 =	vld.idx.msk [tilespmem:v7+s24+$0x0], $0xffff  }
0xac: {  	v49 =	vld.idx.msk [tilespmem:v36+s21+$0x0], $0xffff;
	v54 =	vsub.f32 v63, v26;
	v19 =	vsub.f32 v61, v19  }
0xad: {  	v50 =	vld.idx.msk [tilespmem:v36+s24+$0x0], $0xffff;
	v47 =	vadd.f32 v47, v45;
	v10 =	vadd.f32 v11, v10  }
0xae: {  	v14 =	vadd.f32 v17, v14;
	v51 =	vadd.f32 v60, v58  }
0xaf: {  	v53 =	vld.idx.msk [tilespmem:v29+s24+$0x0], $0xffff;
	v9 =	vadd.f32 v9, v46;
	v12 =	vadd.f32 v56, v12  }
0xb0: {  	v14 =	vsub.f32 v14, v44;
	v7 =	vsub.f32 v51, v7  }
0xb1: {  	v55 =	vld.idx.msk [tilespmem:v18+s24+$0x0], $0xffff;
	v56 =	vsub.f32 v47, v62;
	v10 =	vsub.f32 v10, v49  }
0xb2: {  	v12 =	vsub.f32 v12, v50;
	v14 =	vand.u32 $0x7FFFFFFF, v14;
	v7 =	vand.u32 $0x7FFFFFFF, v7  }
0xb3: {  	v8 =	vld.idx.msk [tilespmem:v8+s24+$0x0], $0xffff;
	v57 =	vadd.f32 v14, v20;
	v7 =	vadd.f32 v7, v21  }
0xb4: {  	v9 =	vsub.f32 v9, v53;
	v10 =	vand.u32 $0x7FFFFFFF, v10;
	v12 =	vand.u32 $0x7FFFFFFF, v12  }
0xb5: {  	v4 =	vld.idx.msk [tilespmem:v4+s24+$0x0], $0xffff;
	v10 =	vadd.f32 v10, v57;
	v7 =	vadd.f32 v12, v7  }
0xb6: {  	v11 =	vand.u32 $0x7FFFFFFF, v56;
	v9 =	vand.u32 $0x7FFFFFFF, v9;
	v58 =	vsub.f32 v48, v55  }
0xb7: {  	v3 =	vld.idx.msk [tilespmem:v3+s24+$0x0], $0xffff;
	v10 =	vadd.f32 v11, v10;
	v7 =	vadd.f32 v9, v7  }
0xb8: {  	v59 =	vand.u32 $0x7FFFFFFF, v54;
	v8 =	vsub.f32 v42, v8;
	v60 =	vand.u32 $0x7FFFFFFF, v58  }
0xb9: {  	v2 =	vld.idx.msk [tilespmem:v2+s24+$0x0], $0xffff;
	v9 =	vadd.f32 v59, v10;
	v7 =	vadd.f32 v60, v7  }
0xba: {  	v61 =	vand.u32 $0x7FFFFFFF, v19;
	v4 =	vsub.f32 v31, v4;
	v8 =	vand.u32 $0x7FFFFFFF, v8  }
0xbb: {  	v9 =	vadd.f32 v61, v9;
	v7 =	vadd.f32 v8, v7  }
0xbc: {  	v62 =	vand.u32 $0x7FFFFFFF, v52;
	v3 =	vsub.f32 v27, v3;
	v4 =	vand.u32 $0x7FFFFFFF, v4  }
0xbd: {  	v8 =	vadd.f32 v62, v9;
	v4 =	vadd.f32 v4, v7  }
0xbe: {  	v6 =	vand.u32 $0x7FFFFFFF, v6;
	v2 =	vsub.f32 v23, v2;
	v3 =	vand.u32 $0x7FFFFFFF, v3  }
0xbf: {  	v6 =	vadd.f32 v6, v8;
	v3 =	vadd.f32 v3, v4  }
0xc0: {  	v63 =	vand.u32 $0x7FFFFFFF, v5;
	v2 =	vand.u32 $0x7FFFFFFF, v2  }
0xc1: {  	v4 =	vadd.f32 v63, v6;
	v2 =	vadd.f32 v2, v3  }
0xc2: {  	s0 =	sadd.s32 $0x1, s0  }
0xc3: {  	p0 =	sne.s32 s0, $0x8;
	v2 =	vsub.f32 v4, v2  }
.Ltmp1:
0xc4: {  	_ = 	snop;
	(pc) =	sbr.rel @p0 .LBB2_3-.Ltmp1, $3  }
0xc5: {  	v2 =	vadd.f32 $1.000000000e+00, v2;
	_ =	sdelay $0x1  }
0xc6: {  	v2 =	vmax.f32 v2, $0.0e+00  }
0xc7: {  	v1 =	vadd.f32 v2, v1  }
0xc8: {  	s30 =	sadd.s32 $0x1, s30  }
0xc9: {  	p0 =	sne.s32 s30, $0x4  }
.Ltmp2:
0xca: {  	_ = 	snop;
	(pc) =	sbr.rel @p0 .LBB2_2-.Ltmp2, $1  }
0xcb: {  	_ =	sdelay $0x3  }
0xcc: {  	s29 =	sadd.s32 $0x1, s29  }
0xcd: {  	p0 =	sne.s32 s29, s12  }
.Ltmp3:
0xce: {  	[tilespmem:$0xCC00] =	vst v1;
	(pc) =	sbr.rel @p0 .LBB2_1-.Ltmp3, $4  }
0xcf: {  	[hbm4b:s11+s2] =	stream.linear.scatter [tilespmem:s28], [sflag:$0x2], $0x10, $0x38;
	[tilespmem:$0xCC10] =	vst v63  }
0xd0: {  	_ =	swait.ge [sflag:s13], $0x10  }
0xd1: {  	[sflag:s13] =	ssyncset.done $0x0  }
0xd2: {  	[sflag:s13] =	ssyncadd.s32 $0xFFFFFFF0  }
0xd3: {  	_ =	sfence.sel $0x180000  }
0xd4: {  	[bflag:$0x0] =	sbarrier.arrive $0xFFFF  }
0xd5: {  	_ =	strace $0x90000047  }
0xd6: {  	s0 =	stileid.u32;
	[bflag:$0x2] =	sbarrier.arrive $0xFFFF  }
0xd7: {  	p0 =	sne.s32 s0, $0x0;
	s0 =	rddreg [dreg:$0x8]  }
0xd8: {  	s0 =	sadd.s32 @!p0 $0x100000, s0  }
0xd9: {  	[sflag:s0] =	ssyncadd.tile.s32 @!p0 $0x1;
	_ =	shalt  }
.Lfunc_end2:
_tile_overlayer_lowered:
.L_overlay_start_2:
0xda: {  	(tag) =	ssettag $0x2  }
0xdb: {  	s0 =	rddreg [dreg:$0x0];
	s2 =	stileid.u32  }
0xdc: {  	s1 =	rddreg [dreg:$0x1];
	p0 =	sne.s32 s2, $0x0  }
0xdd: {  	s3 =	rddreg [dreg:$0x2];
	[bflag:$0x3] =	sbarrier.arrive $0xFFFF;
	s2 =	simm.s32 @!p0 $0x1C02  }
0xde: {  	[timem:s3], [sflag:s2] =	dma.local @!p0 [hbm:s0], s1  }
0xdf: {  	s0 =	simm.s32 @!p0 $0x2  }
0xe0: {  	_ =	swait.ge @!p0 [sflag:s0], s1  }
0xe1: {  	s1 =	ssub.s32 @!p0 $0x0, s1;
	[sflag:s0] =	ssyncset.done @!p0 $0x0  }
0xe2: {  	[sflag:s0] =	ssyncadd.s32 @!p0 s1  }
0xe3: {  	[bflag:$0x3] =	sbarrier.arrive $0xFFFF  }
0xe4: {  	_ =	shalt  }

</sc_bundles>
